<compile_context>
chip_gen: v7x
topology: tpu7x:2x2x1
jax: 0.10.2.dev20260603
libtpu: 0.0.44.dev20260713+nightly
codegen_flags: <defaults>
</compile_context>

<pallas_src>
import functools

import jax
import jax.numpy as jnp
from jax import lax
from jax.experimental import pallas as pl
from jax.experimental.pallas import tpu as pltpu
from jax.experimental.pallas import tpu_sc as plsc

D = 64
NC = 2
NS = 16
NW = NC * NS
G = 128
K = 4
CHUNK = K * G


def _emb_body(b_per_w, table, idx_hbm, out,
              idx0, idx1, rows0, rows1, si0, si1, sg0, sg1, ss0, ss1):
    wid = lax.axis_index("s") * NC + lax.axis_index("c")
    base = wid * b_per_w
    nblk = b_per_w // CHUNK

    def idx_load(i, idxb, semb):
        pltpu.async_copy(idx_hbm.at[pl.ds(base + i * CHUNK, CHUNK)], idxb, semb)

    def wait_idx(idxb, semb):
        pltpu.make_async_copy(idx_hbm.at[pl.ds(0, CHUNK)], idxb, semb).wait()

    def fire(idxb, rowsb, semb):
        for j in range(K):
            pltpu.async_copy(
                table.at[idxb.at[pl.ds(j * G, G)]],
                rowsb.at[pl.ds(j * G, G)],
                semb,
            )

    def wait_g(rowsb, semb):
        pltpu.make_async_copy(table.at[pl.ds(0, CHUNK)], rowsb, semb).wait()

    def store(i, rowsb, semb):
        pltpu.async_copy(rowsb, out.at[pl.ds(base + i * CHUNK, CHUNK)], semb)

    def wait_store(rowsb, semb):
        pltpu.make_async_copy(rowsb, out.at[pl.ds(0, CHUNK)], semb).wait()

    idx_load(0, idx0, si0)
    idx_load(1, idx1, si1)
    wait_idx(idx0, si0)
    fire(idx0, rows0, sg0)
    wait_idx(idx1, si1)
    fire(idx1, rows1, sg1)
    wait_g(rows0, sg0)
    store(0, rows0, ss0)
    idx_load(2, idx0, si0)

    def pair(p, carry):
        i0 = 2 * p
        wait_idx(idx0, si0)
        wait_store(rows0, ss0)
        fire(idx0, rows0, sg0)
        wait_g(rows1, sg1)
        store(i0 - 1, rows1, ss1)
        idx_load(i0 + 1, idx1, si1)

        wait_idx(idx1, si1)
        wait_store(rows1, ss1)
        fire(idx1, rows1, sg1)
        wait_g(rows0, sg0)
        store(i0, rows0, ss0)
        idx_load(i0 + 2, idx0, si0)
        return carry

    lax.fori_loop(1, nblk // 2 - 1, pair, 0)

    i0 = nblk - 2
    wait_idx(idx0, si0)
    wait_store(rows0, ss0)
    fire(idx0, rows0, sg0)
    wait_g(rows1, sg1)
    store(i0 - 1, rows1, ss1)
    idx_load(i0 + 1, idx1, si1)

    wait_idx(idx1, si1)
    wait_store(rows1, ss1)
    fire(idx1, rows1, sg1)
    wait_g(rows0, sg0)
    store(i0, rows0, ss0)

    wait_g(rows1, sg1)
    store(i0 + 1, rows1, ss1)
    wait_store(rows0, ss0)
    wait_store(rows1, ss1)


def kernel(x, table):
    B, H = x.shape
    total = B * H
    b_per_w = total // NW
    assert total % NW == 0
    nblk = b_per_w // CHUNK
    assert b_per_w % CHUNK == 0 and nblk % 2 == 0 and nblk >= 4
    idx_flat = x.reshape(total)

    mesh = plsc.VectorSubcoreMesh(core_axis_name="c", subcore_axis_name="s")
    emb = pl.kernel(
        functools.partial(_emb_body, b_per_w),
        out_type=jax.ShapeDtypeStruct((total, D), jnp.float32),
        mesh=mesh,
        scratch_types=[
            pltpu.VMEM((CHUNK,), jnp.int32),
            pltpu.VMEM((CHUNK,), jnp.int32),
            pltpu.VMEM((CHUNK, D), jnp.float32),
            pltpu.VMEM((CHUNK, D), jnp.float32),
            pltpu.SemaphoreType.DMA,
            pltpu.SemaphoreType.DMA,
            pltpu.SemaphoreType.DMA,
            pltpu.SemaphoreType.DMA,
            pltpu.SemaphoreType.DMA,
            pltpu.SemaphoreType.DMA,
        ],
        compiler_params=pltpu.CompilerParams(use_tc_tiling_on_sc=False),
    )
    out_flat = emb(table, idx_flat)
    return out_flat.reshape(B, H, D)

# --- scband reference (transcript-rebuilt; emitter-appended) ---
"""Pipeline reference for scband-word-embs-30511447671123 (READ-ONLY COPY).

The authoritative reference and input builder live on the scoring server;
editing this copy changes nothing except your own understanding.
"""

import jax, jax.numpy as jnp
import numpy as np

VOCAB = 1000000
EMBED_DIM = 64
BATCH = 16384
HIST = 50

def setup_inputs(seed: int = 0) -> dict:
    key = jax.random.key(seed)
    k1, k2 = jax.random.split(key)
    x = jax.random.randint(k1, (BATCH, HIST), 0, VOCAB, dtype=jnp.int64 if jax.config.jax_enable_x64 else jnp.int32)
    # embedding table initialized like np.random.uniform(low=-0.25, high=0.25)
    table = jax.random.uniform(k2, (VOCAB, EMBED_DIM), minval=-0.25, maxval=0.25, dtype=jnp.float32)
    return {"x": x, "table": table}

def reference(x, table):
    # nn.Embedding.from_pretrained(vec)(x) == gather rows of table
    return jnp.take(table, x, axis=0)

if __name__ == "__main__":
    import jax
    _d = setup_inputs()
    print(jax.jit(kernel)(*tuple(_d.values())))

</pallas_src>

<mosaic_0001>
#map = affine_map<(d0, d1) -> (0, 0)>
#map1 = affine_map<(d0, d1) -> (0)>
module attributes {stable_mosaic.version = 14 : i64} {
  func.func @_emb_body(%arg0: i32, %arg1: i32, %arg2: memref<1000000x64xf32, #tpu.memory_space<hbm>>, %arg3: memref<819200xi32, #tpu.memory_space<hbm>>, %arg4: memref<819200x64xf32, #tpu.memory_space<hbm>>, %arg5: memref<512xi32, #tpu.memory_space<vmem>>, %arg6: memref<512xi32, #tpu.memory_space<vmem>>, %arg7: memref<512x64xf32, #tpu.memory_space<vmem>>, %arg8: memref<512x64xf32, #tpu.memory_space<vmem>>, %arg9: memref<!tpu.dma_semaphore, #tpu.memory_space<semaphore_mem>>, %arg10: memref<!tpu.dma_semaphore, #tpu.memory_space<semaphore_mem>>, %arg11: memref<!tpu.dma_semaphore, #tpu.memory_space<semaphore_mem>>, %arg12: memref<!tpu.dma_semaphore, #tpu.memory_space<semaphore_mem>>, %arg13: memref<!tpu.dma_semaphore, #tpu.memory_space<semaphore_mem>>, %arg14: memref<!tpu.dma_semaphore, #tpu.memory_space<semaphore_mem>>) attributes {dimension_semantics = [#tpu.dimension_semantics<core_parallel>, #tpu.dimension_semantics<subcore_parallel>], iteration_bounds = array<i64: 2, 16>, scalar_prefetch = 0 : i64, scratch_operands = 10 : i64, tpu.core_type = #tpu.core_type<sc_vector_subcore>, window_params = [{transform_indices = #map}, {transform_indices = #map1}, {transform_indices = #map}]} {
    %mul3A = arith.constant 2 : i32
    %mul3A_0 = arith.muli %arg1, %mul3A : i32
    %add3A = arith.addi %mul3A_0, %arg0 : i32
    %mul3A_1 = arith.constant 25600 : i32
    %mul3A_2 = arith.muli %add3A, %mul3A_1 : i32
    %add3A_3 = arith.constant 0 : i32
    %add3A_4 = arith.addi %mul3A_2, %add3A_3 : i32
    %dma_start3A = tpu.memref_slice %arg3[%add3A_4] : memref<819200xi32, #tpu.memory_space<hbm>> -> memref<512xi32, #tpu.memory_space<hbm>>
    %dma_start3A_5 = tpu.memref_slice %arg3[%add3A_4] : memref<819200xi32, #tpu.memory_space<hbm>> -> memref<512xi32, #tpu.memory_space<hbm>>
    tpu.enqueue_dma source(%dma_start3A_5 : memref<512xi32, #tpu.memory_space<hbm>>) target(%arg5 : memref<512xi32, #tpu.memory_space<vmem>>) target_semaphore(%arg9 : memref<!tpu.dma_semaphore, #tpu.memory_space<semaphore_mem>>)
    %add3A_6 = arith.constant 512 : i32
    %add3A_7 = arith.addi %mul3A_2, %add3A_6 : i32
    %dma_start3A_8 = tpu.memref_slice %arg3[%add3A_7] : memref<819200xi32, #tpu.memory_space<hbm>> -> memref<512xi32, #tpu.memory_space<hbm>>
    %dma_start3A_9 = tpu.memref_slice %arg3[%add3A_7] : memref<819200xi32, #tpu.memory_space<hbm>> -> memref<512xi32, #tpu.memory_space<hbm>>
    tpu.enqueue_dma source(%dma_start3A_9 : memref<512xi32, #tpu.memory_space<hbm>>) target(%arg6 : memref<512xi32, #tpu.memory_space<vmem>>) target_semaphore(%arg10 : memref<!tpu.dma_semaphore, #tpu.memory_space<semaphore_mem>>)
    %dma_wait3A = arith.constant 0 : i32
    %dma_wait3A_10 = tpu.memref_slice %arg3[%dma_wait3A] : memref<819200xi32, #tpu.memory_space<hbm>> -> memref<512xi32, #tpu.memory_space<hbm>>
    %dma_wait3A_11 = arith.constant 0 : i32
    %dma_wait3A_12 = tpu.memref_slice %arg3[%dma_wait3A_11] : memref<819200xi32, #tpu.memory_space<hbm>> -> memref<512xi32, #tpu.memory_space<hbm>>
    tpu.wait_dma2 semaphore(%arg9 : memref<!tpu.dma_semaphore, #tpu.memory_space<semaphore_mem>>) src(%dma_wait3A_12 : memref<512xi32, #tpu.memory_space<hbm>>) dst(%arg5 : memref<512xi32, #tpu.memory_space<vmem>>)
    %dma_start3A_13 = arith.constant 0 : i32
    %dma_start3A_14 = arith.constant 0 : i32
    %dma_start3A_15 = tpu.memref_slice %arg7[%dma_start3A_13, %dma_start3A_14] : memref<512x64xf32, #tpu.memory_space<vmem>> -> memref<128x64xf32, #tpu.memory_space<vmem>>
    %dma_start3A_16 = arith.constant 0 : i32
    %dma_start3A_17 = tpu.memref_slice %arg5[%dma_start3A_16] : memref<512xi32, #tpu.memory_space<vmem>> -> memref<128xi32, #tpu.memory_space<vmem>>
    %dma_start3A_18 = arith.constant 0 : i32
    %dma_start3A_19 = arith.constant 0 : i32
    %dma_start3A_20 = tpu.memref_slice %arg2[%dma_start3A_18, %dma_start3A_19] : memref<1000000x64xf32, #tpu.memory_space<hbm>> -> memref<1000000x64xf32, #tpu.memory_space<hbm>>
    tpu.enqueue_indirect_dma source(%dma_start3A_20 : memref<1000000x64xf32, #tpu.memory_space<hbm>>) target(%dma_start3A_15 : memref<128x64xf32, #tpu.memory_space<vmem>>) offsets(%dma_start3A_17 : memref<128xi32, #tpu.memory_space<vmem>>) semaphore(%arg11 : memref<!tpu.dma_semaphore, #tpu.memory_space<semaphore_mem>>)
    %dma_start3A_21 = arith.constant 128 : i32
    %dma_start3A_22 = arith.constant 0 : i32
    %dma_start3A_23 = tpu.memref_slice %arg7[%dma_start3A_21, %dma_start3A_22] : memref<512x64xf32, #tpu.memory_space<vmem>> -> memref<128x64xf32, #tpu.memory_space<vmem>>
    %dma_start3A_24 = arith.constant 128 : i32
    %dma_start3A_25 = tpu.memref_slice %arg5[%dma_start3A_24] : memref<512xi32, #tpu.memory_space<vmem>> -> memref<128xi32, #tpu.memory_space<vmem>>
    %dma_start3A_26 = arith.constant 0 : i32
    %dma_start3A_27 = arith.constant 0 : i32
    %dma_start3A_28 = tpu.memref_slice %arg2[%dma_start3A_26, %dma_start3A_27] : memref<1000000x64xf32, #tpu.memory_space<hbm>> -> memref<1000000x64xf32, #tpu.memory_space<hbm>>
    tpu.enqueue_indirect_dma source(%dma_start3A_28 : memref<1000000x64xf32, #tpu.memory_space<hbm>>) target(%dma_start3A_23 : memref<128x64xf32, #tpu.memory_space<vmem>>) offsets(%dma_start3A_25 : memref<128xi32, #tpu.memory_space<vmem>>) semaphore(%arg11 : memref<!tpu.dma_semaphore, #tpu.memory_space<semaphore_mem>>)
    %dma_start3A_29 = arith.constant 256 : i32
    %dma_start3A_30 = arith.constant 0 : i32
    %dma_start3A_31 = tpu.memref_slice %arg7[%dma_start3A_29, %dma_start3A_30] : memref<512x64xf32, #tpu.memory_space<vmem>> -> memref<128x64xf32, #tpu.memory_space<vmem>>
    %dma_start3A_32 = arith.constant 256 : i32
    %dma_start3A_33 = tpu.memref_slice %arg5[%dma_start3A_32] : memref<512xi32, #tpu.memory_space<vmem>> -> memref<128xi32, #tpu.memory_space<vmem>>
    %dma_start3A_34 = arith.constant 0 : i32
    %dma_start3A_35 = arith.constant 0 : i32
    %dma_start3A_36 = tpu.memref_slice %arg2[%dma_start3A_34, %dma_start3A_35] : memref<1000000x64xf32, #tpu.memory_space<hbm>> -> memref<1000000x64xf32, #tpu.memory_space<hbm>>
    tpu.enqueue_indirect_dma source(%dma_start3A_36 : memref<1000000x64xf32, #tpu.memory_space<hbm>>) target(%dma_start3A_31 : memref<128x64xf32, #tpu.memory_space<vmem>>) offsets(%dma_start3A_33 : memref<128xi32, #tpu.memory_space<vmem>>) semaphore(%arg11 : memref<!tpu.dma_semaphore, #tpu.memory_space<semaphore_mem>>)
    %dma_start3A_37 = arith.constant 384 : i32
    %dma_start3A_38 = arith.constant 0 : i32
    %dma_start3A_39 = tpu.memref_slice %arg7[%dma_start3A_37, %dma_start3A_38] : memref<512x64xf32, #tpu.memory_space<vmem>> -> memref<128x64xf32, #tpu.memory_space<vmem>>
    %dma_start3A_40 = arith.constant 384 : i32
    %dma_start3A_41 = tpu.memref_slice %arg5[%dma_start3A_40] : memref<512xi32, #tpu.memory_space<vmem>> -> memref<128xi32, #tpu.memory_space<vmem>>
    %dma_start3A_42 = arith.constant 0 : i32
    %dma_start3A_43 = arith.constant 0 : i32
    %dma_start3A_44 = tpu.memref_slice %arg2[%dma_start3A_42, %dma_start3A_43] : memref<1000000x64xf32, #tpu.memory_space<hbm>> -> memref<1000000x64xf32, #tpu.memory_space<hbm>>
    tpu.enqueue_indirect_dma source(%dma_start3A_44 : memref<1000000x64xf32, #tpu.memory_space<hbm>>) target(%dma_start3A_39 : memref<128x64xf32, #tpu.memory_space<vmem>>) offsets(%dma_start3A_41 : memref<128xi32, #tpu.memory_space<vmem>>) semaphore(%arg11 : memref<!tpu.dma_semaphore, #tpu.memory_space<semaphore_mem>>)
    %dma_wait3A_45 = arith.constant 0 : i32
    %dma_wait3A_46 = tpu.memref_slice %arg3[%dma_wait3A_45] : memref<819200xi32, #tpu.memory_space<hbm>> -> memref<512xi32, #tpu.memory_space<hbm>>
    %dma_wait3A_47 = arith.constant 0 : i32
    %dma_wait3A_48 = tpu.memref_slice %arg3[%dma_wait3A_47] : memref<819200xi32, #tpu.memory_space<hbm>> -> memref<512xi32, #tpu.memory_space<hbm>>
    tpu.wait_dma2 semaphore(%arg10 : memref<!tpu.dma_semaphore, #tpu.memory_space<semaphore_mem>>) src(%dma_wait3A_48 : memref<512xi32, #tpu.memory_space<hbm>>) dst(%arg6 : memref<512xi32, #tpu.memory_space<vmem>>)
    %dma_start3A_49 = arith.constant 0 : i32
    %dma_start3A_50 = arith.constant 0 : i32
    %dma_start3A_51 = tpu.memref_slice %arg8[%dma_start3A_49, %dma_start3A_50] : memref<512x64xf32, #tpu.memory_space<vmem>> -> memref<128x64xf32, #tpu.memory_space<vmem>>
    %dma_start3A_52 = arith.constant 0 : i32
    %dma_start3A_53 = tpu.memref_slice %arg6[%dma_start3A_52] : memref<512xi32, #tpu.memory_space<vmem>> -> memref<128xi32, #tpu.memory_space<vmem>>
    %dma_start3A_54 = arith.constant 0 : i32
    %dma_start3A_55 = arith.constant 0 : i32
    %dma_start3A_56 = tpu.memref_slice %arg2[%dma_start3A_54, %dma_start3A_55] : memref<1000000x64xf32, #tpu.memory_space<hbm>> -> memref<1000000x64xf32, #tpu.memory_space<hbm>>
    tpu.enqueue_indirect_dma source(%dma_start3A_56 : memref<1000000x64xf32, #tpu.memory_space<hbm>>) target(%dma_start3A_51 : memref<128x64xf32, #tpu.memory_space<vmem>>) offsets(%dma_start3A_53 : memref<128xi32, #tpu.memory_space<vmem>>) semaphore(%arg12 : memref<!tpu.dma_semaphore, #tpu.memory_space<semaphore_mem>>)
    %dma_start3A_57 = arith.constant 128 : i32
    %dma_start3A_58 = arith.constant 0 : i32
    %dma_start3A_59 = tpu.memref_slice %arg8[%dma_start3A_57, %dma_start3A_58] : memref<512x64xf32, #tpu.memory_space<vmem>> -> memref<128x64xf32, #tpu.memory_space<vmem>>
    %dma_start3A_60 = arith.constant 128 : i32
    %dma_start3A_61 = tpu.memref_slice %arg6[%dma_start3A_60] : memref<512xi32, #tpu.memory_space<vmem>> -> memref<128xi32, #tpu.memory_space<vmem>>
    %dma_start3A_62 = arith.constant 0 : i32
    %dma_start3A_63 = arith.constant 0 : i32
    %dma_start3A_64 = tpu.memref_slice %arg2[%dma_start3A_62, %dma_start3A_63] : memref<1000000x64xf32, #tpu.memory_space<hbm>> -> memref<1000000x64xf32, #tpu.memory_space<hbm>>
    tpu.enqueue_indirect_dma source(%dma_start3A_64 : memref<1000000x64xf32, #tpu.memory_space<hbm>>) target(%dma_start3A_59 : memref<128x64xf32, #tpu.memory_space<vmem>>) offsets(%dma_start3A_61 : memref<128xi32, #tpu.memory_space<vmem>>) semaphore(%arg12 : memref<!tpu.dma_semaphore, #tpu.memory_space<semaphore_mem>>)
    %dma_start3A_65 = arith.constant 256 : i32
    %dma_start3A_66 = arith.constant 0 : i32
    %dma_start3A_67 = tpu.memref_slice %arg8[%dma_start3A_65, %dma_start3A_66] : memref<512x64xf32, #tpu.memory_space<vmem>> -> memref<128x64xf32, #tpu.memory_space<vmem>>
    %dma_start3A_68 = arith.constant 256 : i32
    %dma_start3A_69 = tpu.memref_slice %arg6[%dma_start3A_68] : memref<512xi32, #tpu.memory_space<vmem>> -> memref<128xi32, #tpu.memory_space<vmem>>
    %dma_start3A_70 = arith.constant 0 : i32
    %dma_start3A_71 = arith.constant 0 : i32
    %dma_start3A_72 = tpu.memref_slice %arg2[%dma_start3A_70, %dma_start3A_71] : memref<1000000x64xf32, #tpu.memory_space<hbm>> -> memref<1000000x64xf32, #tpu.memory_space<hbm>>
    tpu.enqueue_indirect_dma source(%dma_start3A_72 : memref<1000000x64xf32, #tpu.memory_space<hbm>>) target(%dma_start3A_67 : memref<128x64xf32, #tpu.memory_space<vmem>>) offsets(%dma_start3A_69 : memref<128xi32, #tpu.memory_space<vmem>>) semaphore(%arg12 : memref<!tpu.dma_semaphore, #tpu.memory_space<semaphore_mem>>)
    %dma_start3A_73 = arith.constant 384 : i32
    %dma_start3A_74 = arith.constant 0 : i32
    %dma_start3A_75 = tpu.memref_slice %arg8[%dma_start3A_73, %dma_start3A_74] : memref<512x64xf32, #tpu.memory_space<vmem>> -> memref<128x64xf32, #tpu.memory_space<vmem>>
    %dma_start3A_76 = arith.constant 384 : i32
    %dma_start3A_77 = tpu.memref_slice %arg6[%dma_start3A_76] : memref<512xi32, #tpu.memory_space<vmem>> -> memref<128xi32, #tpu.memory_space<vmem>>
    %dma_start3A_78 = arith.constant 0 : i32
    %dma_start3A_79 = arith.constant 0 : i32
    %dma_start3A_80 = tpu.memref_slice %arg2[%dma_start3A_78, %dma_start3A_79] : memref<1000000x64xf32, #tpu.memory_space<hbm>> -> memref<1000000x64xf32, #tpu.memory_space<hbm>>
    tpu.enqueue_indirect_dma source(%dma_start3A_80 : memref<1000000x64xf32, #tpu.memory_space<hbm>>) target(%dma_start3A_75 : memref<128x64xf32, #tpu.memory_space<vmem>>) offsets(%dma_start3A_77 : memref<128xi32, #tpu.memory_space<vmem>>) semaphore(%arg12 : memref<!tpu.dma_semaphore, #tpu.memory_space<semaphore_mem>>)
    %dma_wait3A_81 = arith.constant 0 : i32
    %dma_wait3A_82 = arith.constant 0 : i32
    %dma_wait3A_83 = tpu.memref_slice %arg2[%dma_wait3A_81, %dma_wait3A_82] : memref<1000000x64xf32, #tpu.memory_space<hbm>> -> memref<512x64xf32, #tpu.memory_space<hbm>>
    %dma_wait3A_84 = arith.constant 0 : i32
    %dma_wait3A_85 = arith.constant 0 : i32
    %dma_wait3A_86 = tpu.memref_slice %arg2[%dma_wait3A_84, %dma_wait3A_85] : memref<1000000x64xf32, #tpu.memory_space<hbm>> -> memref<512x64xf32, #tpu.memory_space<hbm>>
    tpu.wait_dma2 semaphore(%arg11 : memref<!tpu.dma_semaphore, #tpu.memory_space<semaphore_mem>>) src(%dma_wait3A_86 : memref<512x64xf32, #tpu.memory_space<hbm>>) dst(%arg7 : memref<512x64xf32, #tpu.memory_space<vmem>>)
    %add3A_87 = arith.constant 0 : i32
    %add3A_88 = arith.addi %mul3A_2, %add3A_87 : i32
    %dma_start3A_89 = arith.constant 0 : i32
    %dma_start3A_90 = tpu.memref_slice %arg4[%add3A_88, %dma_start3A_89] : memref<819200x64xf32, #tpu.memory_space<hbm>> -> memref<512x64xf32, #tpu.memory_space<hbm>>
    %dma_start3A_91 = arith.constant 0 : i32
    %dma_start3A_92 = tpu.memref_slice %arg4[%add3A_88, %dma_start3A_91] : memref<819200x64xf32, #tpu.memory_space<hbm>> -> memref<512x64xf32, #tpu.memory_space<hbm>>
    tpu.enqueue_dma source(%arg7 : memref<512x64xf32, #tpu.memory_space<vmem>>) target(%dma_start3A_92 : memref<512x64xf32, #tpu.memory_space<hbm>>) target_semaphore(%arg13 : memref<!tpu.dma_semaphore, #tpu.memory_space<semaphore_mem>>)
    %add3A_93 = arith.constant 1024 : i32
    %add3A_94 = arith.addi %mul3A_2, %add3A_93 : i32
    %dma_start3A_95 = tpu.memref_slice %arg3[%add3A_94] : memref<819200xi32, #tpu.memory_space<hbm>> -> memref<512xi32, #tpu.memory_space<hbm>>
    %dma_start3A_96 = tpu.memref_slice %arg3[%add3A_94] : memref<819200xi32, #tpu.memory_space<hbm>> -> memref<512xi32, #tpu.memory_space<hbm>>
    tpu.enqueue_dma source(%dma_start3A_96 : memref<512xi32, #tpu.memory_space<hbm>>) target(%arg5 : memref<512xi32, #tpu.memory_space<vmem>>) target_semaphore(%arg9 : memref<!tpu.dma_semaphore, #tpu.memory_space<semaphore_mem>>)
    %scan3A = arith.constant 0 : i32
    %scan3A_97 = arith.constant 1 : i32
    %scan3A_98 = arith.constant 23 : i32
    %scan3A_99 = arith.addi %scan3A_97, %scan3A_98 : i32
    %scan3A_100 = arith.constant 1 : i32
    scf.for %scan3A_238 = %scan3A_97 to %scan3A_99 step %scan3A_100  : i32 {
      %mul3A_239 = arith.constant 2 : i32
      %mul3A_240 = arith.muli %mul3A_239, %scan3A_238 : i32
      %dma_wait3A_241 = arith.constant 0 : i32
      %dma_wait3A_242 = tpu.memref_slice %arg3[%dma_wait3A_241] : memref<819200xi32, #tpu.memory_space<hbm>> -> memref<512xi32, #tpu.memory_space<hbm>>
      %dma_wait3A_243 = arith.constant 0 : i32
      %dma_wait3A_244 = tpu.memref_slice %arg3[%dma_wait3A_243] : memref<819200xi32, #tpu.memory_space<hbm>> -> memref<512xi32, #tpu.memory_space<hbm>>
      tpu.wait_dma2 semaphore(%arg9 : memref<!tpu.dma_semaphore, #tpu.memory_space<semaphore_mem>>) src(%dma_wait3A_244 : memref<512xi32, #tpu.memory_space<hbm>>) dst(%arg5 : memref<512xi32, #tpu.memory_space<vmem>>)
      %dma_wait3A_245 = arith.constant 0 : i32
      %dma_wait3A_246 = arith.constant 0 : i32
      %dma_wait3A_247 = tpu.memref_slice %arg4[%dma_wait3A_245, %dma_wait3A_246] : memref<819200x64xf32, #tpu.memory_space<hbm>> -> memref<512x64xf32, #tpu.memory_space<hbm>>
      %dma_wait3A_248 = arith.constant 0 : i32
      %dma_wait3A_249 = arith.constant 0 : i32
      %dma_wait3A_250 = tpu.memref_slice %arg4[%dma_wait3A_248, %dma_wait3A_249] : memref<819200x64xf32, #tpu.memory_space<hbm>> -> memref<512x64xf32, #tpu.memory_space<hbm>>
      tpu.wait_dma2 semaphore(%arg13 : memref<!tpu.dma_semaphore, #tpu.memory_space<semaphore_mem>>) src(%arg7 : memref<512x64xf32, #tpu.memory_space<vmem>>) dst(%dma_wait3A_250 : memref<512x64xf32, #tpu.memory_space<hbm>>)
      %dma_start3A_251 = arith.constant 0 : i32
      %dma_start3A_252 = arith.constant 0 : i32
      %dma_start3A_253 = tpu.memref_slice %arg7[%dma_start3A_251, %dma_start3A_252] : memref<512x64xf32, #tpu.memory_space<vmem>> -> memref<128x64xf32, #tpu.memory_space<vmem>>
      %dma_start3A_254 = arith.constant 0 : i32
      %dma_start3A_255 = tpu.memref_slice %arg5[%dma_start3A_254] : memref<512xi32, #tpu.memory_space<vmem>> -> memref<128xi32, #tpu.memory_space<vmem>>
      %dma_start3A_256 = arith.constant 0 : i32
      %dma_start3A_257 = arith.constant 0 : i32
      %dma_start3A_258 = tpu.memref_slice %arg2[%dma_start3A_256, %dma_start3A_257] : memref<1000000x64xf32, #tpu.memory_space<hbm>> -> memref<1000000x64xf32, #tpu.memory_space<hbm>>
      tpu.enqueue_indirect_dma source(%dma_start3A_258 : memref<1000000x64xf32, #tpu.memory_space<hbm>>) target(%dma_start3A_253 : memref<128x64xf32, #tpu.memory_space<vmem>>) offsets(%dma_start3A_255 : memref<128xi32, #tpu.memory_space<vmem>>) semaphore(%arg11 : memref<!tpu.dma_semaphore, #tpu.memory_space<semaphore_mem>>)
      %dma_start3A_259 = arith.constant 128 : i32
      %dma_start3A_260 = arith.constant 0 : i32
      %dma_start3A_261 = tpu.memref_slice %arg7[%dma_start3A_259, %dma_start3A_260] : memref<512x64xf32, #tpu.memory_space<vmem>> -> memref<128x64xf32, #tpu.memory_space<vmem>>
      %dma_start3A_262 = arith.constant 128 : i32
      %dma_start3A_263 = tpu.memref_slice %arg5[%dma_start3A_262] : memref<512xi32, #tpu.memory_space<vmem>> -> memref<128xi32, #tpu.memory_space<vmem>>
      %dma_start3A_264 = arith.constant 0 : i32
      %dma_start3A_265 = arith.constant 0 : i32
      %dma_start3A_266 = tpu.memref_slice %arg2[%dma_start3A_264, %dma_start3A_265] : memref<1000000x64xf32, #tpu.memory_space<hbm>> -> memref<1000000x64xf32, #tpu.memory_space<hbm>>
      tpu.enqueue_indirect_dma source(%dma_start3A_266 : memref<1000000x64xf32, #tpu.memory_space<hbm>>) target(%dma_start3A_261 : memref<128x64xf32, #tpu.memory_space<vmem>>) offsets(%dma_start3A_263 : memref<128xi32, #tpu.memory_space<vmem>>) semaphore(%arg11 : memref<!tpu.dma_semaphore, #tpu.memory_space<semaphore_mem>>)
      %dma_start3A_267 = arith.constant 256 : i32
      %dma_start3A_268 = arith.constant 0 : i32
      %dma_start3A_269 = tpu.memref_slice %arg7[%dma_start3A_267, %dma_start3A_268] : memref<512x64xf32, #tpu.memory_space<vmem>> -> memref<128x64xf32, #tpu.memory_space<vmem>>
      %dma_start3A_270 = arith.constant 256 : i32
      %dma_start3A_271 = tpu.memref_slice %arg5[%dma_start3A_270] : memref<512xi32, #tpu.memory_space<vmem>> -> memref<128xi32, #tpu.memory_space<vmem>>
      %dma_start3A_272 = arith.constant 0 : i32
      %dma_start3A_273 = arith.constant 0 : i32
      %dma_start3A_274 = tpu.memref_slice %arg2[%dma_start3A_272, %dma_start3A_273] : memref<1000000x64xf32, #tpu.memory_space<hbm>> -> memref<1000000x64xf32, #tpu.memory_space<hbm>>
      tpu.enqueue_indirect_dma source(%dma_start3A_274 : memref<1000000x64xf32, #tpu.memory_space<hbm>>) target(%dma_start3A_269 : memref<128x64xf32, #tpu.memory_space<vmem>>) offsets(%dma_start3A_271 : memref<128xi32, #tpu.memory_space<vmem>>) semaphore(%arg11 : memref<!tpu.dma_semaphore, #tpu.memory_space<semaphore_mem>>)
      %dma_start3A_275 = arith.constant 384 : i32
      %dma_start3A_276 = arith.constant 0 : i32
      %dma_start3A_277 = tpu.memref_slice %arg7[%dma_start3A_275, %dma_start3A_276] : memref<512x64xf32, #tpu.memory_space<vmem>> -> memref<128x64xf32, #tpu.memory_space<vmem>>
      %dma_start3A_278 = arith.constant 384 : i32
      %dma_start3A_279 = tpu.memref_slice %arg5[%dma_start3A_278] : memref<512xi32, #tpu.memory_space<vmem>> -> memref<128xi32, #tpu.memory_space<vmem>>
      %dma_start3A_280 = arith.constant 0 : i32
      %dma_start3A_281 = arith.constant 0 : i32
      %dma_start3A_282 = tpu.memref_slice %arg2[%dma_start3A_280, %dma_start3A_281] : memref<1000000x64xf32, #tpu.memory_space<hbm>> -> memref<1000000x64xf32, #tpu.memory_space<hbm>>
      tpu.enqueue_indirect_dma source(%dma_start3A_282 : memref<1000000x64xf32, #tpu.memory_space<hbm>>) target(%dma_start3A_277 : memref<128x64xf32, #tpu.memory_space<vmem>>) offsets(%dma_start3A_279 : memref<128xi32, #tpu.memory_space<vmem>>) semaphore(%arg11 : memref<!tpu.dma_semaphore, #tpu.memory_space<semaphore_mem>>)
      %dma_wait3A_283 = arith.constant 0 : i32
      %dma_wait3A_284 = arith.constant 0 : i32
      %dma_wait3A_285 = tpu.memref_slice %arg2[%dma_wait3A_283, %dma_wait3A_284] : memref<1000000x64xf32, #tpu.memory_space<hbm>> -> memref<512x64xf32, #tpu.memory_space<hbm>>
      %dma_wait3A_286 = arith.constant 0 : i32
      %dma_wait3A_287 = arith.constant 0 : i32
      %dma_wait3A_288 = tpu.memref_slice %arg2[%dma_wait3A_286, %dma_wait3A_287] : memref<1000000x64xf32, #tpu.memory_space<hbm>> -> memref<512x64xf32, #tpu.memory_space<hbm>>
      tpu.wait_dma2 semaphore(%arg12 : memref<!tpu.dma_semaphore, #tpu.memory_space<semaphore_mem>>) src(%dma_wait3A_288 : memref<512x64xf32, #tpu.memory_space<hbm>>) dst(%arg8 : memref<512x64xf32, #tpu.memory_space<vmem>>)
      %sub3A = arith.constant 1 : i32
      %sub3A_289 = arith.subi %mul3A_240, %sub3A : i32
      %mul3A_290 = arith.constant 512 : i32
      %mul3A_291 = arith.muli %sub3A_289, %mul3A_290 : i32
      %add3A_292 = arith.addi %mul3A_2, %mul3A_291 : i32
      %dma_start3A_293 = arith.constant 0 : i32
      %dma_start3A_294 = tpu.memref_slice %arg4[%add3A_292, %dma_start3A_293] : memref<819200x64xf32, #tpu.memory_space<hbm>> -> memref<512x64xf32, #tpu.memory_space<hbm>>
      %dma_start3A_295 = arith.constant 0 : i32
      %dma_start3A_296 = tpu.memref_slice %arg4[%add3A_292, %dma_start3A_295] : memref<819200x64xf32, #tpu.memory_space<hbm>> -> memref<512x64xf32, #tpu.memory_space<hbm>>
      tpu.enqueue_dma source(%arg8 : memref<512x64xf32, #tpu.memory_space<vmem>>) target(%dma_start3A_296 : memref<512x64xf32, #tpu.memory_space<hbm>>) target_semaphore(%arg14 : memref<!tpu.dma_semaphore, #tpu.memory_space<semaphore_mem>>)
      %add3A_297 = arith.constant 1 : i32
      %add3A_298 = arith.addi %mul3A_240, %add3A_297 : i32
      %mul3A_299 = arith.constant 512 : i32
      %mul3A_300 = arith.muli %add3A_298, %mul3A_299 : i32
      %add3A_301 = arith.addi %mul3A_2, %mul3A_300 : i32
      %dma_start3A_302 = tpu.memref_slice %arg3[%add3A_301] : memref<819200xi32, #tpu.memory_space<hbm>> -> memref<512xi32, #tpu.memory_space<hbm>>
      %dma_start3A_303 = tpu.memref_slice %arg3[%add3A_301] : memref<819200xi32, #tpu.memory_space<hbm>> -> memref<512xi32, #tpu.memory_space<hbm>>
      tpu.enqueue_dma source(%dma_start3A_303 : memref<512xi32, #tpu.memory_space<hbm>>) target(%arg6 : memref<512xi32, #tpu.memory_space<vmem>>) target_semaphore(%arg10 : memref<!tpu.dma_semaphore, #tpu.memory_space<semaphore_mem>>)
      %dma_wait3A_304 = arith.constant 0 : i32
      %dma_wait3A_305 = tpu.memref_slice %arg3[%dma_wait3A_304] : memref<819200xi32, #tpu.memory_space<hbm>> -> memref<512xi32, #tpu.memory_space<hbm>>
      %dma_wait3A_306 = arith.constant 0 : i32
      %dma_wait3A_307 = tpu.memref_slice %arg3[%dma_wait3A_306] : memref<819200xi32, #tpu.memory_space<hbm>> -> memref<512xi32, #tpu.memory_space<hbm>>
      tpu.wait_dma2 semaphore(%arg10 : memref<!tpu.dma_semaphore, #tpu.memory_space<semaphore_mem>>) src(%dma_wait3A_307 : memref<512xi32, #tpu.memory_space<hbm>>) dst(%arg6 : memref<512xi32, #tpu.memory_space<vmem>>)
      %dma_wait3A_308 = arith.constant 0 : i32
      %dma_wait3A_309 = arith.constant 0 : i32
      %dma_wait3A_310 = tpu.memref_slice %arg4[%dma_wait3A_308, %dma_wait3A_309] : memref<819200x64xf32, #tpu.memory_space<hbm>> -> memref<512x64xf32, #tpu.memory_space<hbm>>
      %dma_wait3A_311 = arith.constant 0 : i32
      %dma_wait3A_312 = arith.constant 0 : i32
      %dma_wait3A_313 = tpu.memref_slice %arg4[%dma_wait3A_311, %dma_wait3A_312] : memref<819200x64xf32, #tpu.memory_space<hbm>> -> memref<512x64xf32, #tpu.memory_space<hbm>>
      tpu.wait_dma2 semaphore(%arg14 : memref<!tpu.dma_semaphore, #tpu.memory_space<semaphore_mem>>) src(%arg8 : memref<512x64xf32, #tpu.memory_space<vmem>>) dst(%dma_wait3A_313 : memref<512x64xf32, #tpu.memory_space<hbm>>)
      %dma_start3A_314 = arith.constant 0 : i32
      %dma_start3A_315 = arith.constant 0 : i32
      %dma_start3A_316 = tpu.memref_slice %arg8[%dma_start3A_314, %dma_start3A_315] : memref<512x64xf32, #tpu.memory_space<vmem>> -> memref<128x64xf32, #tpu.memory_space<vmem>>
      %dma_start3A_317 = arith.constant 0 : i32
      %dma_start3A_318 = tpu.memref_slice %arg6[%dma_start3A_317] : memref<512xi32, #tpu.memory_space<vmem>> -> memref<128xi32, #tpu.memory_space<vmem>>
      %dma_start3A_319 = arith.constant 0 : i32
      %dma_start3A_320 = arith.constant 0 : i32
      %dma_start3A_321 = tpu.memref_slice %arg2[%dma_start3A_319, %dma_start3A_320] : memref<1000000x64xf32, #tpu.memory_space<hbm>> -> memref<1000000x64xf32, #tpu.memory_space<hbm>>
      tpu.enqueue_indirect_dma source(%dma_start3A_321 : memref<1000000x64xf32, #tpu.memory_space<hbm>>) target(%dma_start3A_316 : memref<128x64xf32, #tpu.memory_space<vmem>>) offsets(%dma_start3A_318 : memref<128xi32, #tpu.memory_space<vmem>>) semaphore(%arg12 : memref<!tpu.dma_semaphore, #tpu.memory_space<semaphore_mem>>)
      %dma_start3A_322 = arith.constant 128 : i32
      %dma_start3A_323 = arith.constant 0 : i32
      %dma_start3A_324 = tpu.memref_slice %arg8[%dma_start3A_322, %dma_start3A_323] : memref<512x64xf32, #tpu.memory_space<vmem>> -> memref<128x64xf32, #tpu.memory_space<vmem>>
      %dma_start3A_325 = arith.constant 128 : i32
      %dma_start3A_326 = tpu.memref_slice %arg6[%dma_start3A_325] : memref<512xi32, #tpu.memory_space<vmem>> -> memref<128xi32, #tpu.memory_space<vmem>>
      %dma_start3A_327 = arith.constant 0 : i32
      %dma_start3A_328 = arith.constant 0 : i32
      %dma_start3A_329 = tpu.memref_slice %arg2[%dma_start3A_327, %dma_start3A_328] : memref<1000000x64xf32, #tpu.memory_space<hbm>> -> memref<1000000x64xf32, #tpu.memory_space<hbm>>
      tpu.enqueue_indirect_dma source(%dma_start3A_329 : memref<1000000x64xf32, #tpu.memory_space<hbm>>) target(%dma_start3A_324 : memref<128x64xf32, #tpu.memory_space<vmem>>) offsets(%dma_start3A_326 : memref<128xi32, #tpu.memory_space<vmem>>) semaphore(%arg12 : memref<!tpu.dma_semaphore, #tpu.memory_space<semaphore_mem>>)
      %dma_start3A_330 = arith.constant 256 : i32
      %dma_start3A_331 = arith.constant 0 : i32
      %dma_start3A_332 = tpu.memref_slice %arg8[%dma_start3A_330, %dma_start3A_331] : memref<512x64xf32, #tpu.memory_space<vmem>> -> memref<128x64xf32, #tpu.memory_space<vmem>>
      %dma_start3A_333 = arith.constant 256 : i32
      %dma_start3A_334 = tpu.memref_slice %arg6[%dma_start3A_333] : memref<512xi32, #tpu.memory_space<vmem>> -> memref<128xi32, #tpu.memory_space<vmem>>
      %dma_start3A_335 = arith.constant 0 : i32
      %dma_start3A_336 = arith.constant 0 : i32
      %dma_start3A_337 = tpu.memref_slice %arg2[%dma_start3A_335, %dma_start3A_336] : memref<1000000x64xf32, #tpu.memory_space<hbm>> -> memref<1000000x64xf32, #tpu.memory_space<hbm>>
      tpu.enqueue_indirect_dma source(%dma_start3A_337 : memref<1000000x64xf32, #tpu.memory_space<hbm>>) target(%dma_start3A_332 : memref<128x64xf32, #tpu.memory_space<vmem>>) offsets(%dma_start3A_334 : memref<128xi32, #tpu.memory_space<vmem>>) semaphore(%arg12 : memref<!tpu.dma_semaphore, #tpu.memory_space<semaphore_mem>>)
      %dma_start3A_338 = arith.constant 384 : i32
      %dma_start3A_339 = arith.constant 0 : i32
      %dma_start3A_340 = tpu.memref_slice %arg8[%dma_start3A_338, %dma_start3A_339] : memref<512x64xf32, #tpu.memory_space<vmem>> -> memref<128x64xf32, #tpu.memory_space<vmem>>
      %dma_start3A_341 = arith.constant 384 : i32
      %dma_start3A_342 = tpu.memref_slice %arg6[%dma_start3A_341] : memref<512xi32, #tpu.memory_space<vmem>> -> memref<128xi32, #tpu.memory_space<vmem>>
      %dma_start3A_343 = arith.constant 0 : i32
      %dma_start3A_344 = arith.constant 0 : i32
      %dma_start3A_345 = tpu.memref_slice %arg2[%dma_start3A_343, %dma_start3A_344] : memref<1000000x64xf32, #tpu.memory_space<hbm>> -> memref<1000000x64xf32, #tpu.memory_space<hbm>>
      tpu.enqueue_indirect_dma source(%dma_start3A_345 : memref<1000000x64xf32, #tpu.memory_space<hbm>>) target(%dma_start3A_340 : memref<128x64xf32, #tpu.memory_space<vmem>>) offsets(%dma_start3A_342 : memref<128xi32, #tpu.memory_space<vmem>>) semaphore(%arg12 : memref<!tpu.dma_semaphore, #tpu.memory_space<semaphore_mem>>)
      %dma_wait3A_346 = arith.constant 0 : i32
      %dma_wait3A_347 = arith.constant 0 : i32
      %dma_wait3A_348 = tpu.memref_slice %arg2[%dma_wait3A_346, %dma_wait3A_347] : memref<1000000x64xf32, #tpu.memory_space<hbm>> -> memref<512x64xf32, #tpu.memory_space<hbm>>
      %dma_wait3A_349 = arith.constant 0 : i32
      %dma_wait3A_350 = arith.constant 0 : i32
      %dma_wait3A_351 = tpu.memref_slice %arg2[%dma_wait3A_349, %dma_wait3A_350] : memref<1000000x64xf32, #tpu.memory_space<hbm>> -> memref<512x64xf32, #tpu.memory_space<hbm>>
      tpu.wait_dma2 semaphore(%arg11 : memref<!tpu.dma_semaphore, #tpu.memory_space<semaphore_mem>>) src(%dma_wait3A_351 : memref<512x64xf32, #tpu.memory_space<hbm>>) dst(%arg7 : memref<512x64xf32, #tpu.memory_space<vmem>>)
      %mul3A_352 = arith.constant 512 : i32
      %mul3A_353 = arith.muli %mul3A_240, %mul3A_352 : i32
      %add3A_354 = arith.addi %mul3A_2, %mul3A_353 : i32
      %dma_start3A_355 = arith.constant 0 : i32
      %dma_start3A_356 = tpu.memref_slice %arg4[%add3A_354, %dma_start3A_355] : memref<819200x64xf32, #tpu.memory_space<hbm>> -> memref<512x64xf32, #tpu.memory_space<hbm>>
      %dma_start3A_357 = arith.constant 0 : i32
      %dma_start3A_358 = tpu.memref_slice %arg4[%add3A_354, %dma_start3A_357] : memref<819200x64xf32, #tpu.memory_space<hbm>> -> memref<512x64xf32, #tpu.memory_space<hbm>>
      tpu.enqueue_dma source(%arg7 : memref<512x64xf32, #tpu.memory_space<vmem>>) target(%dma_start3A_358 : memref<512x64xf32, #tpu.memory_space<hbm>>) target_semaphore(%arg13 : memref<!tpu.dma_semaphore, #tpu.memory_space<semaphore_mem>>)
      %add3A_359 = arith.constant 2 : i32
      %add3A_360 = arith.addi %mul3A_240, %add3A_359 : i32
      %mul3A_361 = arith.constant 512 : i32
      %mul3A_362 = arith.muli %add3A_360, %mul3A_361 : i32
      %add3A_363 = arith.addi %mul3A_2, %mul3A_362 : i32
      %dma_start3A_364 = tpu.memref_slice %arg3[%add3A_363] : memref<819200xi32, #tpu.memory_space<hbm>> -> memref<512xi32, #tpu.memory_space<hbm>>
      %dma_start3A_365 = tpu.memref_slice %arg3[%add3A_363] : memref<819200xi32, #tpu.memory_space<hbm>> -> memref<512xi32, #tpu.memory_space<hbm>>
      tpu.enqueue_dma source(%dma_start3A_365 : memref<512xi32, #tpu.memory_space<hbm>>) target(%arg5 : memref<512xi32, #tpu.memory_space<vmem>>) target_semaphore(%arg9 : memref<!tpu.dma_semaphore, #tpu.memory_space<semaphore_mem>>)
    }
    %scan3A_101 = arith.constant 23 : i32
    %dma_wait3A_102 = arith.constant 0 : i32
    %dma_wait3A_103 = tpu.memref_slice %arg3[%dma_wait3A_102] : memref<819200xi32, #tpu.memory_space<hbm>> -> memref<512xi32, #tpu.memory_space<hbm>>
    %dma_wait3A_104 = arith.constant 0 : i32
    %dma_wait3A_105 = tpu.memref_slice %arg3[%dma_wait3A_104] : memref<819200xi32, #tpu.memory_space<hbm>> -> memref<512xi32, #tpu.memory_space<hbm>>
    tpu.wait_dma2 semaphore(%arg9 : memref<!tpu.dma_semaphore, #tpu.memory_space<semaphore_mem>>) src(%dma_wait3A_105 : memref<512xi32, #tpu.memory_space<hbm>>) dst(%arg5 : memref<512xi32, #tpu.memory_space<vmem>>)
    %dma_wait3A_106 = arith.constant 0 : i32
    %dma_wait3A_107 = arith.constant 0 : i32
    %dma_wait3A_108 = tpu.memref_slice %arg4[%dma_wait3A_106, %dma_wait3A_107] : memref<819200x64xf32, #tpu.memory_space<hbm>> -> memref<512x64xf32, #tpu.memory_space<hbm>>
    %dma_wait3A_109 = arith.constant 0 : i32
    %dma_wait3A_110 = arith.constant 0 : i32
    %dma_wait3A_111 = tpu.memref_slice %arg4[%dma_wait3A_109, %dma_wait3A_110] : memref<819200x64xf32, #tpu.memory_space<hbm>> -> memref<512x64xf32, #tpu.memory_space<hbm>>
    tpu.wait_dma2 semaphore(%arg13 : memref<!tpu.dma_semaphore, #tpu.memory_space<semaphore_mem>>) src(%arg7 : memref<512x64xf32, #tpu.memory_space<vmem>>) dst(%dma_wait3A_111 : memref<512x64xf32, #tpu.memory_space<hbm>>)
    %dma_start3A_112 = arith.constant 0 : i32
    %dma_start3A_113 = arith.constant 0 : i32
    %dma_start3A_114 = tpu.memref_slice %arg7[%dma_start3A_112, %dma_start3A_113] : memref<512x64xf32, #tpu.memory_space<vmem>> -> memref<128x64xf32, #tpu.memory_space<vmem>>
    %dma_start3A_115 = arith.constant 0 : i32
    %dma_start3A_116 = tpu.memref_slice %arg5[%dma_start3A_115] : memref<512xi32, #tpu.memory_space<vmem>> -> memref<128xi32, #tpu.memory_space<vmem>>
    %dma_start3A_117 = arith.constant 0 : i32
    %dma_start3A_118 = arith.constant 0 : i32
    %dma_start3A_119 = tpu.memref_slice %arg2[%dma_start3A_117, %dma_start3A_118] : memref<1000000x64xf32, #tpu.memory_space<hbm>> -> memref<1000000x64xf32, #tpu.memory_space<hbm>>
    tpu.enqueue_indirect_dma source(%dma_start3A_119 : memref<1000000x64xf32, #tpu.memory_space<hbm>>) target(%dma_start3A_114 : memref<128x64xf32, #tpu.memory_space<vmem>>) offsets(%dma_start3A_116 : memref<128xi32, #tpu.memory_space<vmem>>) semaphore(%arg11 : memref<!tpu.dma_semaphore, #tpu.memory_space<semaphore_mem>>)
    %dma_start3A_120 = arith.constant 128 : i32
    %dma_start3A_121 = arith.constant 0 : i32
    %dma_start3A_122 = tpu.memref_slice %arg7[%dma_start3A_120, %dma_start3A_121] : memref<512x64xf32, #tpu.memory_space<vmem>> -> memref<128x64xf32, #tpu.memory_space<vmem>>
    %dma_start3A_123 = arith.constant 128 : i32
    %dma_start3A_124 = tpu.memref_slice %arg5[%dma_start3A_123] : memref<512xi32, #tpu.memory_space<vmem>> -> memref<128xi32, #tpu.memory_space<vmem>>
    %dma_start3A_125 = arith.constant 0 : i32
    %dma_start3A_126 = arith.constant 0 : i32
    %dma_start3A_127 = tpu.memref_slice %arg2[%dma_start3A_125, %dma_start3A_126] : memref<1000000x64xf32, #tpu.memory_space<hbm>> -> memref<1000000x64xf32, #tpu.memory_space<hbm>>
    tpu.enqueue_indirect_dma source(%dma_start3A_127 : memref<1000000x64xf32, #tpu.memory_space<hbm>>) target(%dma_start3A_122 : memref<128x64xf32, #tpu.memory_space<vmem>>) offsets(%dma_start3A_124 : memref<128xi32, #tpu.memory_space<vmem>>) semaphore(%arg11 : memref<!tpu.dma_semaphore, #tpu.memory_space<semaphore_mem>>)
    %dma_start3A_128 = arith.constant 256 : i32
    %dma_start3A_129 = arith.constant 0 : i32
    %dma_start3A_130 = tpu.memref_slice %arg7[%dma_start3A_128, %dma_start3A_129] : memref<512x64xf32, #tpu.memory_space<vmem>> -> memref<128x64xf32, #tpu.memory_space<vmem>>
    %dma_start3A_131 = arith.constant 256 : i32
    %dma_start3A_132 = tpu.memref_slice %arg5[%dma_start3A_131] : memref<512xi32, #tpu.memory_space<vmem>> -> memref<128xi32, #tpu.memory_space<vmem>>
    %dma_start3A_133 = arith.constant 0 : i32
    %dma_start3A_134 = arith.constant 0 : i32
    %dma_start3A_135 = tpu.memref_slice %arg2[%dma_start3A_133, %dma_start3A_134] : memref<1000000x64xf32, #tpu.memory_space<hbm>> -> memref<1000000x64xf32, #tpu.memory_space<hbm>>
    tpu.enqueue_indirect_dma source(%dma_start3A_135 : memref<1000000x64xf32, #tpu.memory_space<hbm>>) target(%dma_start3A_130 : memref<128x64xf32, #tpu.memory_space<vmem>>) offsets(%dma_start3A_132 : memref<128xi32, #tpu.memory_space<vmem>>) semaphore(%arg11 : memref<!tpu.dma_semaphore, #tpu.memory_space<semaphore_mem>>)
    %dma_start3A_136 = arith.constant 384 : i32
    %dma_start3A_137 = arith.constant 0 : i32
    %dma_start3A_138 = tpu.memref_slice %arg7[%dma_start3A_136, %dma_start3A_137] : memref<512x64xf32, #tpu.memory_space<vmem>> -> memref<128x64xf32, #tpu.memory_space<vmem>>
    %dma_start3A_139 = arith.constant 384 : i32
    %dma_start3A_140 = tpu.memref_slice %arg5[%dma_start3A_139] : memref<512xi32, #tpu.memory_space<vmem>> -> memref<128xi32, #tpu.memory_space<vmem>>
    %dma_start3A_141 = arith.constant 0 : i32
    %dma_start3A_142 = arith.constant 0 : i32
    %dma_start3A_143 = tpu.memref_slice %arg2[%dma_start3A_141, %dma_start3A_142] : memref<1000000x64xf32, #tpu.memory_space<hbm>> -> memref<1000000x64xf32, #tpu.memory_space<hbm>>
    tpu.enqueue_indirect_dma source(%dma_start3A_143 : memref<1000000x64xf32, #tpu.memory_space<hbm>>) target(%dma_start3A_138 : memref<128x64xf32, #tpu.memory_space<vmem>>) offsets(%dma_start3A_140 : memref<128xi32, #tpu.memory_space<vmem>>) semaphore(%arg11 : memref<!tpu.dma_semaphore, #tpu.memory_space<semaphore_mem>>)
    %dma_wait3A_144 = arith.constant 0 : i32
    %dma_wait3A_145 = arith.constant 0 : i32
    %dma_wait3A_146 = tpu.memref_slice %arg2[%dma_wait3A_144, %dma_wait3A_145] : memref<1000000x64xf32, #tpu.memory_space<hbm>> -> memref<512x64xf32, #tpu.memory_space<hbm>>
    %dma_wait3A_147 = arith.constant 0 : i32
    %dma_wait3A_148 = arith.constant 0 : i32
    %dma_wait3A_149 = tpu.memref_slice %arg2[%dma_wait3A_147, %dma_wait3A_148] : memref<1000000x64xf32, #tpu.memory_space<hbm>> -> memref<512x64xf32, #tpu.memory_space<hbm>>
    tpu.wait_dma2 semaphore(%arg12 : memref<!tpu.dma_semaphore, #tpu.memory_space<semaphore_mem>>) src(%dma_wait3A_149 : memref<512x64xf32, #tpu.memory_space<hbm>>) dst(%arg8 : memref<512x64xf32, #tpu.memory_space<vmem>>)
    %add3A_150 = arith.constant 24064 : i32
    %add3A_151 = arith.addi %mul3A_2, %add3A_150 : i32
    %dma_start3A_152 = arith.constant 0 : i32
    %dma_start3A_153 = tpu.memref_slice %arg4[%add3A_151, %dma_start3A_152] : memref<819200x64xf32, #tpu.memory_space<hbm>> -> memref<512x64xf32, #tpu.memory_space<hbm>>
    %dma_start3A_154 = arith.constant 0 : i32
    %dma_start3A_155 = tpu.memref_slice %arg4[%add3A_151, %dma_start3A_154] : memref<819200x64xf32, #tpu.memory_space<hbm>> -> memref<512x64xf32, #tpu.memory_space<hbm>>
    tpu.enqueue_dma source(%arg8 : memref<512x64xf32, #tpu.memory_space<vmem>>) target(%dma_start3A_155 : memref<512x64xf32, #tpu.memory_space<hbm>>) target_semaphore(%arg14 : memref<!tpu.dma_semaphore, #tpu.memory_space<semaphore_mem>>)
    %add3A_156 = arith.constant 25088 : i32
    %add3A_157 = arith.addi %mul3A_2, %add3A_156 : i32
    %dma_start3A_158 = tpu.memref_slice %arg3[%add3A_157] : memref<819200xi32, #tpu.memory_space<hbm>> -> memref<512xi32, #tpu.memory_space<hbm>>
    %dma_start3A_159 = tpu.memref_slice %arg3[%add3A_157] : memref<819200xi32, #tpu.memory_space<hbm>> -> memref<512xi32, #tpu.memory_space<hbm>>
    tpu.enqueue_dma source(%dma_start3A_159 : memref<512xi32, #tpu.memory_space<hbm>>) target(%arg6 : memref<512xi32, #tpu.memory_space<vmem>>) target_semaphore(%arg10 : memref<!tpu.dma_semaphore, #tpu.memory_space<semaphore_mem>>)
    %dma_wait3A_160 = arith.constant 0 : i32
    %dma_wait3A_161 = tpu.memref_slice %arg3[%dma_wait3A_160] : memref<819200xi32, #tpu.memory_space<hbm>> -> memref<512xi32, #tpu.memory_space<hbm>>
    %dma_wait3A_162 = arith.constant 0 : i32
    %dma_wait3A_163 = tpu.memref_slice %arg3[%dma_wait3A_162] : memref<819200xi32, #tpu.memory_space<hbm>> -> memref<512xi32, #tpu.memory_space<hbm>>
    tpu.wait_dma2 semaphore(%arg10 : memref<!tpu.dma_semaphore, #tpu.memory_space<semaphore_mem>>) src(%dma_wait3A_163 : memref<512xi32, #tpu.memory_space<hbm>>) dst(%arg6 : memref<512xi32, #tpu.memory_space<vmem>>)
    %dma_wait3A_164 = arith.constant 0 : i32
    %dma_wait3A_165 = arith.constant 0 : i32
    %dma_wait3A_166 = tpu.memref_slice %arg4[%dma_wait3A_164, %dma_wait3A_165] : memref<819200x64xf32, #tpu.memory_space<hbm>> -> memref<512x64xf32, #tpu.memory_space<hbm>>
    %dma_wait3A_167 = arith.constant 0 : i32
    %dma_wait3A_168 = arith.constant 0 : i32
    %dma_wait3A_169 = tpu.memref_slice %arg4[%dma_wait3A_167, %dma_wait3A_168] : memref<819200x64xf32, #tpu.memory_space<hbm>> -> memref<512x64xf32, #tpu.memory_space<hbm>>
    tpu.wait_dma2 semaphore(%arg14 : memref<!tpu.dma_semaphore, #tpu.memory_space<semaphore_mem>>) src(%arg8 : memref<512x64xf32, #tpu.memory_space<vmem>>) dst(%dma_wait3A_169 : memref<512x64xf32, #tpu.memory_space<hbm>>)
    %dma_start3A_170 = arith.constant 0 : i32
    %dma_start3A_171 = arith.constant 0 : i32
    %dma_start3A_172 = tpu.memref_slice %arg8[%dma_start3A_170, %dma_start3A_171] : memref<512x64xf32, #tpu.memory_space<vmem>> -> memref<128x64xf32, #tpu.memory_space<vmem>>
    %dma_start3A_173 = arith.constant 0 : i32
    %dma_start3A_174 = tpu.memref_slice %arg6[%dma_start3A_173] : memref<512xi32, #tpu.memory_space<vmem>> -> memref<128xi32, #tpu.memory_space<vmem>>
    %dma_start3A_175 = arith.constant 0 : i32
    %dma_start3A_176 = arith.constant 0 : i32
    %dma_start3A_177 = tpu.memref_slice %arg2[%dma_start3A_175, %dma_start3A_176] : memref<1000000x64xf32, #tpu.memory_space<hbm>> -> memref<1000000x64xf32, #tpu.memory_space<hbm>>
    tpu.enqueue_indirect_dma source(%dma_start3A_177 : memref<1000000x64xf32, #tpu.memory_space<hbm>>) target(%dma_start3A_172 : memref<128x64xf32, #tpu.memory_space<vmem>>) offsets(%dma_start3A_174 : memref<128xi32, #tpu.memory_space<vmem>>) semaphore(%arg12 : memref<!tpu.dma_semaphore, #tpu.memory_space<semaphore_mem>>)
    %dma_start3A_178 = arith.constant 128 : i32
    %dma_start3A_179 = arith.constant 0 : i32
    %dma_start3A_180 = tpu.memref_slice %arg8[%dma_start3A_178, %dma_start3A_179] : memref<512x64xf32, #tpu.memory_space<vmem>> -> memref<128x64xf32, #tpu.memory_space<vmem>>
    %dma_start3A_181 = arith.constant 128 : i32
    %dma_start3A_182 = tpu.memref_slice %arg6[%dma_start3A_181] : memref<512xi32, #tpu.memory_space<vmem>> -> memref<128xi32, #tpu.memory_space<vmem>>
    %dma_start3A_183 = arith.constant 0 : i32
    %dma_start3A_184 = arith.constant 0 : i32
    %dma_start3A_185 = tpu.memref_slice %arg2[%dma_start3A_183, %dma_start3A_184] : memref<1000000x64xf32, #tpu.memory_space<hbm>> -> memref<1000000x64xf32, #tpu.memory_space<hbm>>
    tpu.enqueue_indirect_dma source(%dma_start3A_185 : memref<1000000x64xf32, #tpu.memory_space<hbm>>) target(%dma_start3A_180 : memref<128x64xf32, #tpu.memory_space<vmem>>) offsets(%dma_start3A_182 : memref<128xi32, #tpu.memory_space<vmem>>) semaphore(%arg12 : memref<!tpu.dma_semaphore, #tpu.memory_space<semaphore_mem>>)
    %dma_start3A_186 = arith.constant 256 : i32
    %dma_start3A_187 = arith.constant 0 : i32
    %dma_start3A_188 = tpu.memref_slice %arg8[%dma_start3A_186, %dma_start3A_187] : memref<512x64xf32, #tpu.memory_space<vmem>> -> memref<128x64xf32, #tpu.memory_space<vmem>>
    %dma_start3A_189 = arith.constant 256 : i32
    %dma_start3A_190 = tpu.memref_slice %arg6[%dma_start3A_189] : memref<512xi32, #tpu.memory_space<vmem>> -> memref<128xi32, #tpu.memory_space<vmem>>
    %dma_start3A_191 = arith.constant 0 : i32
    %dma_start3A_192 = arith.constant 0 : i32
    %dma_start3A_193 = tpu.memref_slice %arg2[%dma_start3A_191, %dma_start3A_192] : memref<1000000x64xf32, #tpu.memory_space<hbm>> -> memref<1000000x64xf32, #tpu.memory_space<hbm>>
    tpu.enqueue_indirect_dma source(%dma_start3A_193 : memref<1000000x64xf32, #tpu.memory_space<hbm>>) target(%dma_start3A_188 : memref<128x64xf32, #tpu.memory_space<vmem>>) offsets(%dma_start3A_190 : memref<128xi32, #tpu.memory_space<vmem>>) semaphore(%arg12 : memref<!tpu.dma_semaphore, #tpu.memory_space<semaphore_mem>>)
    %dma_start3A_194 = arith.constant 384 : i32
    %dma_start3A_195 = arith.constant 0 : i32
    %dma_start3A_196 = tpu.memref_slice %arg8[%dma_start3A_194, %dma_start3A_195] : memref<512x64xf32, #tpu.memory_space<vmem>> -> memref<128x64xf32, #tpu.memory_space<vmem>>
    %dma_start3A_197 = arith.constant 384 : i32
    %dma_start3A_198 = tpu.memref_slice %arg6[%dma_start3A_197] : memref<512xi32, #tpu.memory_space<vmem>> -> memref<128xi32, #tpu.memory_space<vmem>>
    %dma_start3A_199 = arith.constant 0 : i32
    %dma_start3A_200 = arith.constant 0 : i32
    %dma_start3A_201 = tpu.memref_slice %arg2[%dma_start3A_199, %dma_start3A_200] : memref<1000000x64xf32, #tpu.memory_space<hbm>> -> memref<1000000x64xf32, #tpu.memory_space<hbm>>
    tpu.enqueue_indirect_dma source(%dma_start3A_201 : memref<1000000x64xf32, #tpu.memory_space<hbm>>) target(%dma_start3A_196 : memref<128x64xf32, #tpu.memory_space<vmem>>) offsets(%dma_start3A_198 : memref<128xi32, #tpu.memory_space<vmem>>) semaphore(%arg12 : memref<!tpu.dma_semaphore, #tpu.memory_space<semaphore_mem>>)
    %dma_wait3A_202 = arith.constant 0 : i32
    %dma_wait3A_203 = arith.constant 0 : i32
    %dma_wait3A_204 = tpu.memref_slice %arg2[%dma_wait3A_202, %dma_wait3A_203] : memref<1000000x64xf32, #tpu.memory_space<hbm>> -> memref<512x64xf32, #tpu.memory_space<hbm>>
    %dma_wait3A_205 = arith.constant 0 : i32
    %dma_wait3A_206 = arith.constant 0 : i32
    %dma_wait3A_207 = tpu.memref_slice %arg2[%dma_wait3A_205, %dma_wait3A_206] : memref<1000000x64xf32, #tpu.memory_space<hbm>> -> memref<512x64xf32, #tpu.memory_space<hbm>>
    tpu.wait_dma2 semaphore(%arg11 : memref<!tpu.dma_semaphore, #tpu.memory_space<semaphore_mem>>) src(%dma_wait3A_207 : memref<512x64xf32, #tpu.memory_space<hbm>>) dst(%arg7 : memref<512x64xf32, #tpu.memory_space<vmem>>)
    %add3A_208 = arith.constant 24576 : i32
    %add3A_209 = arith.addi %mul3A_2, %add3A_208 : i32
    %dma_start3A_210 = arith.constant 0 : i32
    %dma_start3A_211 = tpu.memref_slice %arg4[%add3A_209, %dma_start3A_210] : memref<819200x64xf32, #tpu.memory_space<hbm>> -> memref<512x64xf32, #tpu.memory_space<hbm>>
    %dma_start3A_212 = arith.constant 0 : i32
    %dma_start3A_213 = tpu.memref_slice %arg4[%add3A_209, %dma_start3A_212] : memref<819200x64xf32, #tpu.memory_space<hbm>> -> memref<512x64xf32, #tpu.memory_space<hbm>>
    tpu.enqueue_dma source(%arg7 : memref<512x64xf32, #tpu.memory_space<vmem>>) target(%dma_start3A_213 : memref<512x64xf32, #tpu.memory_space<hbm>>) target_semaphore(%arg13 : memref<!tpu.dma_semaphore, #tpu.memory_space<semaphore_mem>>)
    %dma_wait3A_214 = arith.constant 0 : i32
    %dma_wait3A_215 = arith.constant 0 : i32
    %dma_wait3A_216 = tpu.memref_slice %arg2[%dma_wait3A_214, %dma_wait3A_215] : memref<1000000x64xf32, #tpu.memory_space<hbm>> -> memref<512x64xf32, #tpu.memory_space<hbm>>
    %dma_wait3A_217 = arith.constant 0 : i32
    %dma_wait3A_218 = arith.constant 0 : i32
    %dma_wait3A_219 = tpu.memref_slice %arg2[%dma_wait3A_217, %dma_wait3A_218] : memref<1000000x64xf32, #tpu.memory_space<hbm>> -> memref<512x64xf32, #tpu.memory_space<hbm>>
    tpu.wait_dma2 semaphore(%arg12 : memref<!tpu.dma_semaphore, #tpu.memory_space<semaphore_mem>>) src(%dma_wait3A_219 : memref<512x64xf32, #tpu.memory_space<hbm>>) dst(%arg8 : memref<512x64xf32, #tpu.memory_space<vmem>>)
    %add3A_220 = arith.constant 25088 : i32
    %add3A_221 = arith.addi %mul3A_2, %add3A_220 : i32
    %dma_start3A_222 = arith.constant 0 : i32
    %dma_start3A_223 = tpu.memref_slice %arg4[%add3A_221, %dma_start3A_222] : memref<819200x64xf32, #tpu.memory_space<hbm>> -> memref<512x64xf32, #tpu.memory_space<hbm>>
    %dma_start3A_224 = arith.constant 0 : i32
    %dma_start3A_225 = tpu.memref_slice %arg4[%add3A_221, %dma_start3A_224] : memref<819200x64xf32, #tpu.memory_space<hbm>> -> memref<512x64xf32, #tpu.memory_space<hbm>>
    tpu.enqueue_dma source(%arg8 : memref<512x64xf32, #tpu.memory_space<vmem>>) target(%dma_start3A_225 : memref<512x64xf32, #tpu.memory_space<hbm>>) target_semaphore(%arg14 : memref<!tpu.dma_semaphore, #tpu.memory_space<semaphore_mem>>)
    %dma_wait3A_226 = arith.constant 0 : i32
    %dma_wait3A_227 = arith.constant 0 : i32
    %dma_wait3A_228 = tpu.memref_slice %arg4[%dma_wait3A_226, %dma_wait3A_227] : memref<819200x64xf32, #tpu.memory_space<hbm>> -> memref<512x64xf32, #tpu.memory_space<hbm>>
    %dma_wait3A_229 = arith.constant 0 : i32
    %dma_wait3A_230 = arith.constant 0 : i32
    %dma_wait3A_231 = tpu.memref_slice %arg4[%dma_wait3A_229, %dma_wait3A_230] : memref<819200x64xf32, #tpu.memory_space<hbm>> -> memref<512x64xf32, #tpu.memory_space<hbm>>
    tpu.wait_dma2 semaphore(%arg13 : memref<!tpu.dma_semaphore, #tpu.memory_space<semaphore_mem>>) src(%arg7 : memref<512x64xf32, #tpu.memory_space<vmem>>) dst(%dma_wait3A_231 : memref<512x64xf32, #tpu.memory_space<hbm>>)
    %dma_wait3A_232 = arith.constant 0 : i32
    %dma_wait3A_233 = arith.constant 0 : i32
    %dma_wait3A_234 = tpu.memref_slice %arg4[%dma_wait3A_232, %dma_wait3A_233] : memref<819200x64xf32, #tpu.memory_space<hbm>> -> memref<512x64xf32, #tpu.memory_space<hbm>>
    %dma_wait3A_235 = arith.constant 0 : i32
    %dma_wait3A_236 = arith.constant 0 : i32
    %dma_wait3A_237 = tpu.memref_slice %arg4[%dma_wait3A_235, %dma_wait3A_236] : memref<819200x64xf32, #tpu.memory_space<hbm>> -> memref<512x64xf32, #tpu.memory_space<hbm>>
    tpu.wait_dma2 semaphore(%arg14 : memref<!tpu.dma_semaphore, #tpu.memory_space<semaphore_mem>>) src(%arg8 : memref<512x64xf32, #tpu.memory_space<vmem>>) dst(%dma_wait3A_237 : memref<512x64xf32, #tpu.memory_space<hbm>>)
    return
  }
}

</mosaic_0001>

<sc_bundles>
// kernel: kernel.3.cloned.1.call-start
scs
__scs_entry_jumppad:
0x0: {  	(pc) =	sbr.rel $0x88, $3  }
0x1: {  	(tag) =	ssettag $0x0;
	lr =	simm.s32 $0x1  }
0x2: {  	[smem:$0x3F9F] =	sst lr;
	_ =	strace $0xD0000000  }
0x3: {  	_ = 	snop  }
0x4: {  	_ = 	snop  }
0x5: {  	_ = 	snop  }
0x6: {  	_ = 	snop  }
0x7: {  	_ = 	snop  }
__scs_overlays_trampoline_lowered:
0x8: {  	[smem:$0x3FAE] =	sst s0  }
0x9: {  	[smem:$0x3FAF] =	sst s1  }
0xa: {  	[smem:$0x3FB0] =	sst s2  }
0xb: {  	[smem:$0x3FB1] =	sst s3  }
0xc: {  	[smem:$0x3FB2] =	sst s4  }
0xd: {  	[smem:$0x3FB3] =	sst s5  }
0xe: {  	[smem:$0x3FB4] =	sst s6  }
0xf: {  	[smem:$0x3FB5] =	sst s7  }
0x10: {  	[smem:$0x3FB6] =	sst s8  }
0x11: {  	[smem:$0x3FB7] =	sst s9;
	s0 =	simm.s32 @!p0 $0x0  }
0x12: {  	s1 =	sld [smem:$0x3F9D];
	s0 =	simm.s32 @p0 $0x1  }
0x13: {  	[smem:$0x3FB8] =	sst s0;
	s0 =	simm.s32 @!p1 $0x0  }
0x14: {  	s2 =	sld [smem:$0x3F9C];
	s0 =	simm.s32 @p1 $0x1  }
0x15: {  	[smem:$0x3FB9] =	sst s0;
	s0 =	simm.s32 @!p2 $0x0  }
0x16: {  	s3 =	sld [smem:$0x3FDB];
	s0 =	simm.s32 @p2 $0x1  }
0x17: {  	s4 =	simm.s32 $0x1BF5;
	[smem:$0x3FBB] =	sst s0  }
0x18: {  	s0 =	sld [smem:$0x3F9E];
	_ =	swait.ge [sflag:s4], $0x0  }
0x19: {  	s7 =	sld [smem:$0x3F9F]  }
0x1a: {  	s8 =	sadd.s32 $0xFFFFE003, lr  }
0x1b: {  	s9 =	sadd.s32 $0xFFFFFEF7, lr;
	s5 =	simm.s32 $0xFFFFFFFF;
	p2 =	slt.u32 s8, $0xFFFFF086  }
0x1c: {  	p1 =	slt.u32 s9, $0xF7A;
	s5 =	simm.s32 @!p2 $0x0  }
0x1d: {  	s5 =	simm.s32 @p1 $0x1;
	p0 =	seq.s32 s7, s2  }
0x1e: {  	s7 =	smul.u32 @!p0 $0xF7A, s2;
	p2 =	seq.s32 @!p0 s5, $0x0  }
0x1f: {  	s9 =	smul.u32 $0xF7A, s1;
	s8 =	simm.s32 @!p0 $0x1BF5;
	p2 =	por !p2, p0  }
0x20: {  	[sflag:s8] =	ssyncset.s32 @!p0 $0xFFFFF086;
	s6 =	sadd.s32 @!p0 s3, s7;
	s7 =	simm.s32 @!p0 $0x108  }
0x21: {  	s3 =	sadd.s32 s3, s9;
	s6 =	sadd.s32 @!p0 $0x88, s6;
	s7 =	simm.s32 @p2 $0x1082  }
0x22: {  	[simem:s7], [sflag:s8] =	dma.local @!p0 [hbm:s6], $0xF7A  }
0x23: {  	s9 =	sor.u32 $0xD0000000, s2;
	s6 =	simm.s32 $0x108;
	_ =	swait.ge @!p0 [sflag:s8], $0x0  }
0x24: {  	s3 =	sadd.s32 $0x88, s3;
	s6 =	simm.s32 @!p1 $0x1082;
	[sflag:s4] =	ssyncset.s32 $0xFFFFF086  }
0x25: {  	[simem:s6], [sflag:s4] =	dma.local [hbm:s3], $0xF7A  }
0x26: {  	[smem:$0x3F9F] =	sst s1;
	(tag) =	ssettag s2;
	_ =	strace s9  }
0x27: {  	s1 =	sld [smem:$0x3FAF]  }
0x28: {  	s2 =	sld [smem:$0x3FB0]  }
0x29: {  	s4 =	sld [smem:$0x3FB2]  }
0x2a: {  	p0 =	seq.s32 s5, $0x0;
	s5 =	sld [smem:$0x3FB3]  }
0x2b: {  	s6 =	sld [smem:$0x3FB4]  }
0x2c: {  	s7 =	sld [smem:$0x3FB5]  }
0x2d: {  	s3 =	simm.s32 $0x108;
	s8 =	sld [smem:$0x3FB6]  }
0x2e: {  	s3 =	simm.s32 @!p0 $0x1082;
	s9 =	sld [smem:$0x3FB7]  }
0x2f: {  	lr =	sadd.s32 s0, s3;
	s0 =	sld [smem:$0x3FAE]  }
0x30: {  	s3 =	sld [smem:$0x3FB1]  }
0x31: {  	[smem:$0x3FBA] =	sst s10  }
0x32: {  	s10 =	sld [smem:$0x3FB8];
	_ =	sdelay $0x3  }
0x33: {  	p0 =	seq.s32 s10, $0x1;
	s10 =	sld [smem:$0x3FBA];
	_ =	sdelay $0x3  }
0x34: {  	[smem:$0x3FBA] =	sst s10  }
0x35: {  	s10 =	sld [smem:$0x3FB9];
	_ =	sdelay $0x3  }
0x36: {  	p1 =	seq.s32 s10, $0x1;
	s10 =	sld [smem:$0x3FBA];
	_ =	sdelay $0x3  }
0x37: {  	[smem:$0x3FBA] =	sst s10  }
0x38: {  	s10 =	sld [smem:$0x3FBB]  }
0x39: {  	_ = 	snop;
	(pc) =	sbr.ind lr, $3  }
0x3a: {  	_ = 	snop  }
0x3b: {  	_ = 	snop  }
0x3c: {  	p2 =	seq.s32 s10, $0x1;
	s10 =	sld [smem:$0x3FBA]  }
0x3d: {  	_ =	shalt  }
0x3e: {  	_ =	shalt  }
0x3f: {  	_ =	shalt  }
0x40: {  	_ =	shalt  }
0x41: {  	_ =	shalt  }
0x42: {  	_ =	shalt  }
0x43: {  	_ =	shalt  }
0x44: {  	_ =	shalt  }
0x45: {  	_ =	shalt  }
0x46: {  	_ =	shalt  }
0x47: {  	_ =	shalt  }
0x48: {  	_ =	shalt  }
0x49: {  	_ =	shalt  }
0x4a: {  	_ =	shalt  }
0x4b: {  	_ =	shalt  }
0x4c: {  	_ =	shalt  }
0x4d: {  	_ =	shalt  }
0x4e: {  	_ =	shalt  }
0x4f: {  	_ =	shalt  }
0x50: {  	_ =	shalt  }
0x51: {  	_ =	shalt  }
0x52: {  	_ =	shalt  }
0x53: {  	_ =	shalt  }
0x54: {  	_ =	shalt  }
0x55: {  	_ =	shalt  }
0x56: {  	_ =	shalt  }
0x57: {  	_ =	shalt  }
0x58: {  	_ =	shalt  }
0x59: {  	_ =	shalt  }
0x5a: {  	_ =	shalt  }
0x5b: {  	_ =	shalt  }
0x5c: {  	_ =	shalt  }
0x5d: {  	_ =	shalt  }
0x5e: {  	_ =	shalt  }
0x5f: {  	_ =	shalt  }
0x60: {  	_ =	shalt  }
0x61: {  	_ =	shalt  }
0x62: {  	_ =	shalt  }
0x63: {  	_ =	shalt  }
0x64: {  	_ =	shalt  }
0x65: {  	_ =	shalt  }
0x66: {  	_ =	shalt  }
0x67: {  	_ =	shalt  }
0x68: {  	_ =	shalt  }
0x69: {  	_ =	shalt  }
0x6a: {  	_ =	shalt  }
0x6b: {  	_ =	shalt  }
0x6c: {  	_ =	shalt  }
0x6d: {  	_ =	shalt  }
0x6e: {  	_ =	shalt  }
0x6f: {  	_ =	shalt  }
0x70: {  	_ =	shalt  }
0x71: {  	_ =	shalt  }
0x72: {  	_ =	shalt  }
0x73: {  	_ =	shalt  }
0x74: {  	_ =	shalt  }
0x75: {  	_ =	shalt  }
0x76: {  	_ =	shalt  }
0x77: {  	_ =	shalt  }
0x78: {  	_ =	shalt  }
0x79: {  	_ =	shalt  }
0x7a: {  	_ =	shalt  }
0x7b: {  	_ =	shalt  }
0x7c: {  	_ =	shalt  }
0x7d: {  	_ =	shalt  }
0x7e: {  	_ =	shalt  }
0x7f: {  	_ =	shalt  }
0x80: {  	_ =	shalt  }
0x81: {  	_ =	shalt  }
0x82: {  	_ =	shalt  }
0x83: {  	_ =	shalt  }
0x84: {  	_ =	shalt  }
0x85: {  	_ =	shalt  }
0x86: {  	_ =	shalt  }
0x87: {  	_ =	shalt  }
.Lfunc_end0:
.L_simem_size_0:
called_computation.1_lowered:
.L_overlay_start_0:
0x88: {  	s2 =	sld [smem:$0x3FD9]  }
0x89: {  	s3 =	sld [smem:$0x3FFE];
	_ =	sdelay $0x1  }
0x8a: {  	s1 =	srdreg.scid  }
0x8b: {  	s0 =	sand.u32 $0x1, s1  }
0x8c: {  	s17 =	sshll.u32 s0, $0xA;
	s2 =	sadd.s32 s3, s2  }
0x8d: {  	s2 =	sadd.s32 s2, s17  }
0x8e: {  	[smem:$0x3FC6] =	sst s2  }
0x8f: {  	_ = 	snop  }
0x90: {  	s2 =	sld [smem:$0x3FD0];
	(tm) =	ssettm $0x1  }
0x91: {  	s18 =	sld [smem:$0x3FFB];
	_ =	sdelay $0x3  }
0x92: {  	_ =	strace s18  }
0x93: {  	s3 =	sld [smem:$0x3FFC];
	_ =	sdelay $0x3  }
0x94: {  	_ =	strace s3  }
0x95: {  	s3 =	sld [smem:$0x3FFD];
	_ =	sdelay $0x3  }
0x96: {  	_ =	strace s3  }
0x97: {  	_ =	strace $0x8FFFFFFF  }
0x98: {  	s19 =	sld [smem:$0x3FDB];
	_ =	sdelay $0x1  }
0x99: {  	s4 =	simm.s32 $_scs_section_size  }
0x9a: {  	s5 =	simm.s32 $_size__tile_overlayer_lowered;
	s6 =	simm.s32 $_tile_overlayer_lowered  }
0x9b: {  	s22 =	simm.s32 $0x1BFF;
	s21 =	sshll.u32 s6, $0x1;
	s3 =	sadd.s32 s4, s19  }
0x9c: {  	s7 =	simm.s32 $0x0;
	s20 =	sshll.u32 s5, $0x1;
	s5 =	sadd.s32 s21, s3  }
0x9d: {  	[timem:s7], [sflag:s22] =	dma.local [hbm:s5], s20  }
0x9e: {  	_ =	swait.ge [sflag:s22], s20  }
0x9f: {  	s4 =	ssub.s32 $0x0, s20;
	[sflag:s22] =	ssyncset.done $0x0  }
0xa0: {  	[sflag:s22] =	ssyncadd.s32 s4;
	_ =	sdelay $0x1  }
0xa1: {  	s23 =	simm.s32 $0x1B8B  }
0xa2: {  	_ =	swait.ge [sflag:s23], $0x1  }
0xa3: {  	[sflag:s23] =	ssyncset.done $0x0  }
0xa4: {  	s25 =	simm.s32 $0x1B8E;
	s24 =	sld [smem:$0x3FFE];
	[sflag:s23] =	ssyncadd.s32 $0xFFFFFFFF  }
0xa5: {  	s26 =	simm.s32 $execute0_lowered;
	[smem:$0x3FD2] =	sst s25  }
0xa6: {  	s5 =	sshll.u32 s26, $0x1;
	_ =	strace $0x80000046;
	[dreg:$0x1] =	wrdreg $0xFFFFFFFF  }
0xa7: {  	s28 =	simm.s32 $_size_execute0_lowered;
	s3 =	sadd.s32 s3, s5;
	[dreg:$0x0] =	wrdreg $0x0  }
0xa8: {  	s5 =	sshll.u32 s28, $0x1;
	[dreg:$0x2] =	wrdreg s3  }
0xa9: {  	[dreg:$0x3] =	wrdreg s5  }
0xaa: {  	[dreg:$0x4] =	wrdreg $0xC0  }
0xab: {  	_ =	task [dreg:s7], $0x5FFFF  }
0xac: {  	[dreg:$0x1] =	wrdreg $0xFFFFFFFF  }
0xad: {  	[dreg:$0x0] =	wrdreg $0x60  }
0xae: {  	[dreg:$0x2] =	wrdreg s24  }
0xaf: {  	[dreg:$0x3] =	wrdreg s2  }
0xb0: {  	[dreg:$0x4] =	wrdreg $0x9  }
0xb1: {  	_ =	task.clear_ibuf [dreg:s7], $0x5FFFF;
	_ =	strace $0x90000046  }
0xb2: {  	s29 =	simm.s32 $0x9;
	_ =	strace $0x80000048  }
0xb3: {  	_ =	swait.ge [sflag:s29], $0x1  }
0xb4: {  	[sflag:s29] =	ssyncadd.s32 $0xFFFFFFFF  }
0xb5: {  	_ =	strace $0x90000048  }
0xb6: {  	_ =	sfence  }
0xb7: {  	s30 =	sld [smem:$0x0];
	_ =	sdelay $0x2  }
0xb8: {  	s31 =	sshll.u32 s1, $0xD;
	s1 =	sshrl.u32 s1, $0x2  }
0xb9: {  	s3 =	sand.u32 $0x4000, s31;
	s1 =	sadd.s32 s1, s30  }
0xba: {  	s0 =	sor.u32 s3, s0;
	s1 =	sshll.u32 s1, $0x11  }
0xbb: {  	s0 =	sor.u32 s1, s0  }
0xbc: {  	s0 =	sadd.s32 $0x8F2B, s0  }
0xbd: {  	[sflag:s0] =	ssyncadd.remote.s32 $0x1  }
0xbe: {  	_ =	sfence.sel $0xFFFF  }
0xbf: {  	[dreg:$0x0] =	wrdreg $0xFFFFFFFF;
	(pc) =	sbr.abs _section_cstart, $3  }
0xc0: {  	[dreg:$0x1] =	wrdreg $0xFFFFFFFF  }
0xc1: {  	_ =	task.clear_ibuf [dreg:s7], $0x2FFFF;
	_ =	strace $0x9FFFFFFF  }
0xc2: {  	(tm) =	ssettm $0x7FFFFFFF  }
0xc3: {  	_ =	shalt  }
tec
execute0_lowered:
.L_overlay_start_1:
0x0: {  	(tag) =	ssettag $0x1  }
0x1: {  	s0 =	rddreg [dreg:$0x0]  }
0x2: {  	s2 =	rddreg [dreg:$0x1];
	s1 =	srdreg.scid  }
0x3: {  	s11 =	stileid.u32;
	s3 =	simm.s32 $0x0;
	s28 =	simm.s32 $0x280  }
0x4: {  	s29 =	simm.s32 $0xA400;
	s30 =	simm.s32 $0x300;
	s14 =	smul.u32 $0x320000, s11  }
0x5: {  	s1 =	sand.u32 $0x1, s1;
	s4 =	sshll.u32 s11, $0x1;
	s15 =	smul.u32 $0xC800, s11  }
0x6: {  	[smem:$0x7FF] =	sst s3;
	s5 =	sor.u32 s1, s4;
	s18 =	smul.u32 $0x6400, s1  }
0x7: {  	_ =	strace $0x80000047;
	s7 =	ssub.s32 $0x2, s1;
	s1 =	smul.u32 $0x190000, s1  }
0x8: {  	s31 =	simm.s32 $0xC400;
	s4 =	sadd.s32 $0xF42E00, s0;
	s6 =	smul.u32 $0x6400, s5  }
0x9: {  	s0 =	sadd.s32 $0xA00, s0;
	s9 =	smul.u32 $0x32000, s5;
	s10 =	sshrl.u32 s7, $0x1  }
0xa: {  	s5 =	smul.u32 $0x190000, s5;
	s7 =	ssub.s32 s7, s10;
	s20 =	sadd.s32 s18, s15  }
0xb: {  	s1 =	sadd.s32 s1, s14;
	s18 =	simm.s32 $0x80;
	s8 =	sshrl.u32 s6, $0x3  }
0xc: {  	s9 =	sadd.s32 s2, s9;
	s5 =	sshrl.u32 s5, $0x3;
	s6 =	sadd.s32 $0x6200, s6  }
0xd: {  	s21 =	smax.u32 s7, $0x1;
	s22 =	sadd.s32 $0x800, s20;
	s1 =	sadd.s32 $0x10000, s1  }
0xe: {  	s24 =	sadd.s32 $0x600, s20;
	s7 =	simm.s32 $0x5;
	[dreg:$0x7] =	wrdreg s9  }
0xf: {  	s8 =	sadd.s32 s0, s8;
	s5 =	sadd.s32 s2, s5;
	[dreg:$0xd] =	wrdreg s21  }
0x10: {  	s17 =	sshrl.u32 s6, $0x3;
	s6 =	sshll.u32 s6, $0x3;
	[dreg:$0xe] =	wrdreg s1  }
0x11: {  	s23 =	sshrl.u32 s22, $0x3;
	s13 =	sadd.s32 $0x40, s8;
	[dreg:$0x5] =	wrdreg s8  }
0x12: {  	s21 =	simm.s32 $0x100;
	s8 =	sadd.s32 $0x80, s8;
	[dreg:$0x6] =	wrdreg s13  }
0x13: {  	s22 =	simm.s32 $0x4400;
	s16 =	sadd.s32 $0x2F000, s5;
	[dreg:$0x8] =	wrdreg s8  }
0x14: {  	s9 =	simm.s32 $0x6;
	s10 =	sadd.s32 s0, s17;
	[dreg:$0x9] =	wrdreg s16  }
0x15: {  	s5 =	sadd.s32 $0x30000, s5;
	s19 =	sadd.s32 s2, s6;
	[dreg:$0xa] =	wrdreg s10  }
0x16: {  	s1 =	sadd.s32 s23, s0;
	s6 =	sshrl.u32 s24, $0x3;
	[dreg:$0xb] =	wrdreg s5  }
0x17: {  	s17 =	simm.s32 $0x1;
	s23 =	simm.s32 $0x180;
	[dreg:$0xc] =	wrdreg s19  }
0x18: {  	s24 =	simm.s32 $0x6400;
	s5 =	sshll.u32 s20, $0x3;
	[dreg:$0x3] =	wrdreg s1  }
0x19: {  	s0 =	sadd.s32 s6, s0;
	s16 =	simm.s32 $0x200;
	s19 =	simm.s32 $0x400  }
0x1a: {  	s20 =	simm.s32 $0x2400;
	s1 =	simm.s32 $0xE400;
	s6 =	simm.s32 $0x3  }
0x1b: {  	s8 =	simm.s32 $0x4;
	s10 =	simm.s32 $0x0;
	s25 =	sadd.s32 s5, s2  }
0x1c: {  	[dreg:$0x4] =	wrdreg s0;
	s0 =	simm.s32 $0x380;
	s26 =	sadd.s32 $0x1000, s25  }
0x1d: {  	s25 =	simm.s32 $0x2;
	[dreg:$0xf] =	wrdreg s26;
	s26 =	simm.s32 $0x8400  }
.LBB2_1:
0x1e: {  	s5 =	rddreg [dreg:$0x5]  }
0x1f: {  	[tilespmem:s3], [sflag:$0x1] =	stream.linear.gather [hbm4b:s5+s3], $0x200, $0x38;
	[tilespmem:$0x10400] =	vst v63  }
0x20: {  	s15 =	rddreg [dreg:$0x6]  }
0x21: {  	[tilespmem:s16], [sflag:$0x2] =	stream.linear.gather [hbm4b:s15+s3], $0x200, $0x38;
	[tilespmem:$0x10400] =	vst v63  }
0x22: {  	_ =	swait.ge [sflag:s17], $0x200  }
0x23: {  	[sflag:s17] =	ssyncset.done $0x0  }
0x24: {  	[sflag:s17] =	ssyncadd.s32 $0xFFFFFE00  }
0x25: {  	[tilespmem:s19], [sflag:$0x3] =	stream.indirect.gather [hbm4b:s4+s18], $0x40, s3, s18, $0xb8;
	[tilespmem:$0x10400] =	vst v63  }
0x26: {  	_ = 	snop  }
0x27: {  	[tilespmem:s20], [sflag:$0x3] =	stream.indirect.gather [hbm4b:s4+s18], $0x40, s18, s18, $0xb8;
	[tilespmem:$0x10400] =	vst v63  }
0x28: {  	_ = 	snop  }
0x29: {  	[tilespmem:s22], [sflag:$0x3] =	stream.indirect.gather [hbm4b:s4+s18], $0x40, s21, s18, $0xb8;
	[tilespmem:$0x10400] =	vst v63  }
0x2a: {  	_ = 	snop  }
0x2b: {  	[tilespmem:s24], [sflag:$0x3] =	stream.indirect.gather [hbm4b:s4+s18], $0x40, s23, s18, $0xb8;
	[tilespmem:$0x10400] =	vst v63  }
0x2c: {  	_ =	swait.ge [sflag:s25], $0x200  }
0x2d: {  	[sflag:s25] =	ssyncset.done $0x0  }
0x2e: {  	[sflag:s25] =	ssyncadd.s32 $0xFFFFFE00  }
0x2f: {  	[tilespmem:s26], [sflag:$0x4] =	stream.indirect.gather [hbm4b:s4+s18], $0x40, s16, s18, $0xb8;
	[tilespmem:$0x10400] =	vst v63  }
0x30: {  	_ = 	snop  }
0x31: {  	[tilespmem:s29], [sflag:$0x4] =	stream.indirect.gather [hbm4b:s4+s18], $0x40, s28, s18, $0xb8;
	[tilespmem:$0x10400] =	vst v63  }
0x32: {  	_ = 	snop  }
0x33: {  	[tilespmem:s31], [sflag:$0x4] =	stream.indirect.gather [hbm4b:s4+s18], $0x40, s30, s18, $0xb8;
	[tilespmem:$0x10400] =	vst v63  }
0x34: {  	_ = 	snop  }
0x35: {  	[tilespmem:s1], [sflag:$0x4] =	stream.indirect.gather [hbm4b:s4+s18], $0x40, s0, s18, $0xb8;
	[tilespmem:$0x10400] =	vst v63  }
0x36: {  	_ =	swait.ge [sflag:s6], $0x8000  }
0x37: {  	[sflag:s6] =	ssyncset.done $0x0  }
0x38: {  	s11 =	rddreg [dreg:$0x7];
	[sflag:s6] =	ssyncadd.s32 $0xFFFF8000  }
0x39: {  	[hbm4b:s11+s3] =	stream.linear.scatter [tilespmem:s19], [sflag:$0x5], $0x8000, $0x38;
	[tilespmem:$0x10400] =	vst v63  }
0x3a: {  	s12 =	rddreg [dreg:$0x8]  }
0x3b: {  	[tilespmem:s3], [sflag:$0x1] =	stream.linear.gather [hbm4b:s12+s3], $0x200, $0x38;
	[tilespmem:$0x10400] =	vst v63  }
0x3c: {  	_ =	swait.ge [sflag:s17], $0x200  }
0x3d: {  	[sflag:s17] =	ssyncset.done $0x0  }
0x3e: {  	[sflag:s17] =	ssyncadd.s32 $0xFFFFFE00  }
0x3f: {  	_ =	swait.ge [sflag:s7], $0x8000  }
0x40: {  	[sflag:s7] =	ssyncset.done $0x0  }
0x41: {  	[sflag:s7] =	ssyncadd.s32 $0xFFFF8000  }
0x42: {  	[tilespmem:s19], [sflag:$0x3] =	stream.indirect.gather [hbm4b:s4+s18], $0x40, s3, s18, $0xb8;
	[tilespmem:$0x10400] =	vst v63  }
0x43: {  	_ = 	snop  }
0x44: {  	[tilespmem:s20], [sflag:$0x3] =	stream.indirect.gather [hbm4b:s4+s18], $0x40, s18, s18, $0xb8;
	[tilespmem:$0x10400] =	vst v63  }
0x45: {  	_ = 	snop  }
0x46: {  	[tilespmem:s22], [sflag:$0x3] =	stream.indirect.gather [hbm4b:s4+s18], $0x40, s21, s18, $0xb8;
	[tilespmem:$0x10400] =	vst v63  }
0x47: {  	_ = 	snop  }
0x48: {  	[tilespmem:s24], [sflag:$0x3] =	stream.indirect.gather [hbm4b:s4+s18], $0x40, s23, s18, $0xb8;
	[tilespmem:$0x10400] =	vst v63  }
0x49: {  	_ =	swait.ge [sflag:s8], $0x8000  }
0x4a: {  	[sflag:s8] =	ssyncset.done $0x0;
	s13 =	rddreg [dreg:$0x4]  }
0x4b: {  	s14 =	rddreg [dreg:$0xf];
	[sflag:s8] =	ssyncadd.s32 $0xFFFF8000  }
0x4c: {  	[hbm4b:s14+s3] =	stream.linear.scatter [tilespmem:s26], [sflag:$0x6], $0x8000, $0x38;
	[tilespmem:$0x10400] =	vst v63  }
0x4d: {  	s5 =	sadd.s32 $0x0, s13  }
0x4e: {  	[tilespmem:s16], [sflag:$0x2] =	stream.linear.gather [hbm4b:s5+s3], $0x200, $0x38;
	[tilespmem:$0x10400] =	vst v63  }
0x4f: {  	_ =	swait.ge [sflag:s25], $0x200  }
0x50: {  	[sflag:s25] =	ssyncset.done $0x0  }
0x51: {  	[sflag:s25] =	ssyncadd.s32 $0xFFFFFE00  }
0x52: {  	_ =	swait.ge [sflag:s9], $0x8000  }
0x53: {  	[sflag:s9] =	ssyncset.done $0x0  }
0x54: {  	[sflag:s9] =	ssyncadd.s32 $0xFFFF8000  }
0x55: {  	[tilespmem:s26], [sflag:$0x4] =	stream.indirect.gather [hbm4b:s4+s18], $0x40, s16, s18, $0xb8;
	[tilespmem:$0x10400] =	vst v63  }
0x56: {  	_ = 	snop  }
0x57: {  	[tilespmem:s29], [sflag:$0x4] =	stream.indirect.gather [hbm4b:s4+s18], $0x40, s28, s18, $0xb8;
	[tilespmem:$0x10400] =	vst v63  }
0x58: {  	_ = 	snop  }
0x59: {  	[tilespmem:s31], [sflag:$0x4] =	stream.indirect.gather [hbm4b:s4+s18], $0x40, s30, s18, $0xb8;
	[tilespmem:$0x10400] =	vst v63  }
0x5a: {  	_ = 	snop  }
0x5b: {  	[tilespmem:s1], [sflag:$0x4] =	stream.indirect.gather [hbm4b:s4+s18], $0x40, s0, s18, $0xb8;
	[tilespmem:$0x10400] =	vst v63  }
0x5c: {  	_ =	swait.ge [sflag:s6], $0x8000  }
0x5d: {  	s12 =	rddreg [dreg:$0xe]  }
0x5e: {  	[sflag:s6] =	ssyncset.done $0x0;
	s11 =	rddreg [dreg:$0x3];
	s15 =	sshrl.u32 s12, $0x3  }
0x5f: {  	[sflag:s6] =	ssyncadd.s32 $0xFFFF8000;
	s13 =	sadd.s32 $0x0, s11;
	s5 =	sadd.s32 s2, s15  }
0x60: {  	[hbm4b:s5+s3] =	stream.linear.scatter [tilespmem:s19], [sflag:$0x5], $0x8000, $0x38;
	[tilespmem:$0x10400] =	vst v63  }
0x61: {  	s11 =	sadd.s32 $0x10000, s12;
	s12 =	sadd.s32 $0x2000, s14;
	s5 =	simm.s32 $0x80  }
.LBB2_2:
0x62: {  	[tilespmem:s3], [sflag:$0x1] =	stream.linear.gather [hbm4b:s13+s3], $0x200, $0x38;
	[tilespmem:$0x10400] =	vst v63  }
0x63: {  	_ =	swait.ge [sflag:s17], $0x200  }
0x64: {  	[sflag:s17] =	ssyncset.done $0x0  }
0x65: {  	[sflag:s17] =	ssyncadd.s32 $0xFFFFFE00  }
0x66: {  	_ =	swait.ge [sflag:s7], $0x8000  }
0x67: {  	[sflag:s7] =	ssyncset.done $0x0  }
0x68: {  	[sflag:s7] =	ssyncadd.s32 $0xFFFF8000  }
0x69: {  	[tilespmem:s19], [sflag:$0x3] =	stream.indirect.gather [hbm4b:s4+s18], $0x40, s3, s18, $0xb8;
	[tilespmem:$0x10400] =	vst v63  }
0x6a: {  	_ = 	snop  }
0x6b: {  	[tilespmem:s20], [sflag:$0x3] =	stream.indirect.gather [hbm4b:s4+s18], $0x40, s18, s18, $0xb8;
	[tilespmem:$0x10400] =	vst v63  }
0x6c: {  	_ = 	snop  }
0x6d: {  	[tilespmem:s22], [sflag:$0x3] =	stream.indirect.gather [hbm4b:s4+s18], $0x40, s21, s18, $0xb8;
	[tilespmem:$0x10400] =	vst v63  }
0x6e: {  	_ = 	snop  }
0x6f: {  	[tilespmem:s24], [sflag:$0x3] =	stream.indirect.gather [hbm4b:s4+s18], $0x40, s23, s18, $0xb8;
	[tilespmem:$0x10400] =	vst v63  }
0x70: {  	_ =	swait.ge [sflag:s8], $0x8000  }
0x71: {  	[sflag:s8] =	ssyncset.done $0x0  }
0x72: {  	s13 =	smov.u32 s5;
	s14 =	rddreg [dreg:$0x4];
	[sflag:s8] =	ssyncadd.s32 $0xFFFF8000  }
0x73: {  	[hbm4b:s12+s3] =	stream.linear.scatter [tilespmem:s26], [sflag:$0x6], $0x8000, $0x38;
	[tilespmem:$0x10400] =	vst v63  }
0x74: {  	s14 =	sadd.s32 s13, s14  }
0x75: {  	[tilespmem:s16], [sflag:$0x2] =	stream.linear.gather [hbm4b:s14+s3], $0x200, $0x38;
	[tilespmem:$0x10400] =	vst v63  }
0x76: {  	_ =	swait.ge [sflag:s25], $0x200  }
0x77: {  	[sflag:s25] =	ssyncset.done $0x0  }
0x78: {  	[sflag:s25] =	ssyncadd.s32 $0xFFFFFE00  }
0x79: {  	_ =	swait.ge [sflag:s9], $0x8000  }
0x7a: {  	[sflag:s9] =	ssyncset.done $0x0  }
0x7b: {  	[sflag:s9] =	ssyncadd.s32 $0xFFFF8000  }
0x7c: {  	[tilespmem:s26], [sflag:$0x4] =	stream.indirect.gather [hbm4b:s4+s18], $0x40, s16, s18, $0xb8;
	[tilespmem:$0x10400] =	vst v63  }
0x7d: {  	_ = 	snop  }
0x7e: {  	[tilespmem:s29], [sflag:$0x4] =	stream.indirect.gather [hbm4b:s4+s18], $0x40, s28, s18, $0xb8;
	[tilespmem:$0x10400] =	vst v63  }
0x7f: {  	_ = 	snop  }
0x80: {  	[tilespmem:s31], [sflag:$0x4] =	stream.indirect.gather [hbm4b:s4+s18], $0x40, s30, s18, $0xb8;
	[tilespmem:$0x10400] =	vst v63  }
0x81: {  	p0 =	sne.s32 s5, $0xB00  }
0x82: {  	[tilespmem:s1], [sflag:$0x4] =	stream.indirect.gather [hbm4b:s4+s18], $0x40, s0, s18, $0xb8;
	[tilespmem:$0x10400] =	vst v63  }
.Ltmp0:
0x83: {  	s5 =	sadd.s32 $0x80, s5;
	(pc) =	sbr.rel @p0 .LBB2_2-.Ltmp0, $4  }
0x84: {  	s12 =	sadd.s32 $0x2000, s12;
	s14 =	sshrl.u32 s11, $0x3;
	_ =	swait.ge [sflag:s6], $0x8000  }
0x85: {  	s11 =	sadd.s32 $0x10000, s11;
	[sflag:s6] =	ssyncset.done $0x0;
	s15 =	rddreg [dreg:$0x3]  }
0x86: {  	s14 =	sadd.s32 s2, s14;
	[sflag:s6] =	ssyncadd.s32 $0xFFFF8000;
	s13 =	sadd.s32 s13, s15  }
0x87: {  	[hbm4b:s14+s3] =	stream.linear.scatter [tilespmem:s19], [sflag:$0x5], $0x8000, $0x38;
	[tilespmem:$0x10400] =	vst v63  }
0x88: {  	[tilespmem:s3], [sflag:$0x1] =	stream.linear.gather [hbm4b:s13+s3], $0x200, $0x38;
	[tilespmem:$0x10400] =	vst v63  }
0x89: {  	_ =	swait.ge [sflag:s17], $0x200  }
0x8a: {  	[sflag:s17] =	ssyncset.done $0x0  }
0x8b: {  	[sflag:s17] =	ssyncadd.s32 $0xFFFFFE00  }
0x8c: {  	_ =	swait.ge [sflag:s7], $0x8000  }
0x8d: {  	[sflag:s7] =	ssyncset.done $0x0  }
0x8e: {  	[sflag:s7] =	ssyncadd.s32 $0xFFFF8000  }
0x8f: {  	[tilespmem:s19], [sflag:$0x3] =	stream.indirect.gather [hbm4b:s4+s18], $0x40, s3, s18, $0xb8;
	[tilespmem:$0x10400] =	vst v63  }
0x90: {  	_ = 	snop  }
0x91: {  	[tilespmem:s20], [sflag:$0x3] =	stream.indirect.gather [hbm4b:s4+s18], $0x40, s18, s18, $0xb8;
	[tilespmem:$0x10400] =	vst v63  }
0x92: {  	_ = 	snop  }
0x93: {  	[tilespmem:s22], [sflag:$0x3] =	stream.indirect.gather [hbm4b:s4+s18], $0x40, s21, s18, $0xb8;
	[tilespmem:$0x10400] =	vst v63  }
0x94: {  	_ = 	snop  }
0x95: {  	[tilespmem:s24], [sflag:$0x3] =	stream.indirect.gather [hbm4b:s4+s18], $0x40, s23, s18, $0xb8;
	[tilespmem:$0x10400] =	vst v63  }
0x96: {  	_ =	swait.ge [sflag:s8], $0x8000  }
0x97: {  	[sflag:s8] =	ssyncset.done $0x0  }
0x98: {  	s5 =	rddreg [dreg:$0x9];
	[sflag:s8] =	ssyncadd.s32 $0xFFFF8000  }
0x99: {  	[hbm4b:s5+s3] =	stream.linear.scatter [tilespmem:s26], [sflag:$0x6], $0x8000, $0x38;
	[tilespmem:$0x10400] =	vst v63  }
0x9a: {  	s12 =	rddreg [dreg:$0xa]  }
0x9b: {  	[tilespmem:s16], [sflag:$0x2] =	stream.linear.gather [hbm4b:s12+s3], $0x200, $0x38;
	[tilespmem:$0x10400] =	vst v63  }
0x9c: {  	_ =	swait.ge [sflag:s25], $0x200  }
0x9d: {  	[sflag:s25] =	ssyncset.done $0x0  }
0x9e: {  	[sflag:s25] =	ssyncadd.s32 $0xFFFFFE00  }
0x9f: {  	_ =	swait.ge [sflag:s9], $0x8000  }
0xa0: {  	[sflag:s9] =	ssyncset.done $0x0  }
0xa1: {  	[sflag:s9] =	ssyncadd.s32 $0xFFFF8000  }
0xa2: {  	[tilespmem:s26], [sflag:$0x4] =	stream.indirect.gather [hbm4b:s4+s18], $0x40, s16, s18, $0xb8;
	[tilespmem:$0x10400] =	vst v63  }
0xa3: {  	_ = 	snop  }
0xa4: {  	[tilespmem:s29], [sflag:$0x4] =	stream.indirect.gather [hbm4b:s4+s18], $0x40, s28, s18, $0xb8;
	[tilespmem:$0x10400] =	vst v63  }
0xa5: {  	_ = 	snop  }
0xa6: {  	[tilespmem:s31], [sflag:$0x4] =	stream.indirect.gather [hbm4b:s4+s18], $0x40, s30, s18, $0xb8;
	[tilespmem:$0x10400] =	vst v63  }
0xa7: {  	_ = 	snop  }
0xa8: {  	[tilespmem:s1], [sflag:$0x4] =	stream.indirect.gather [hbm4b:s4+s18], $0x40, s0, s18, $0xb8;
	[tilespmem:$0x10400] =	vst v63  }
0xa9: {  	_ =	swait.ge [sflag:s6], $0x8000  }
0xaa: {  	[sflag:s6] =	ssyncset.done $0x0  }
0xab: {  	s13 =	rddreg [dreg:$0xb];
	[sflag:s6] =	ssyncadd.s32 $0xFFFF8000  }
0xac: {  	[hbm4b:s13+s3] =	stream.linear.scatter [tilespmem:s19], [sflag:$0x5], $0x8000, $0x38;
	[tilespmem:$0x10400] =	vst v63  }
0xad: {  	_ =	swait.ge [sflag:s8], $0x8000  }
0xae: {  	[sflag:s8] =	ssyncset.done $0x0  }
0xaf: {  	s14 =	rddreg [dreg:$0xc];
	[sflag:s8] =	ssyncadd.s32 $0xFFFF8000  }
0xb0: {  	[hbm4b:s14+s3] =	stream.linear.scatter [tilespmem:s26], [sflag:$0x6], $0x8000, $0x38;
	[tilespmem:$0x10400] =	vst v63  }
0xb1: {  	_ =	swait.ge [sflag:s7], $0x8000  }
0xb2: {  	[sflag:s7] =	ssyncset.done $0x0  }
0xb3: {  	[sflag:s7] =	ssyncadd.s32 $0xFFFF8000  }
0xb4: {  	_ =	swait.ge [sflag:s9], $0x8000  }
0xb5: {  	s10 =	sadd.s32 $0x1, s10;
	s15 =	rddreg [dreg:$0xd]  }
0xb6: {  	p0 =	sne.s32 s10, s15  }
.Ltmp1:
0xb7: {  	_ = 	snop;
	(pc) =	sbr.rel @p0 .LBB2_1-.Ltmp1, $3  }
0xb8: {  	_ =	sdelay $0x1  }
0xb9: {  	[sflag:s9] =	ssyncset.done $0x0  }
0xba: {  	[sflag:s9] =	ssyncadd.s32 $0xFFFF8000  }
0xbb: {  	_ =	sfence.sel $0x180000  }
0xbc: {  	[bflag:$0x0] =	sbarrier.arrive $0xFFFF  }
0xbd: {  	_ =	strace $0x90000047  }
0xbe: {  	s0 =	stileid.u32;
	[bflag:$0x2] =	sbarrier.arrive $0xFFFF  }
0xbf: {  	p0 =	sne.s32 s0, $0x0;
	s0 =	rddreg [dreg:$0x2]  }
0xc0: {  	s0 =	sadd.s32 @!p0 $0x100000, s0  }
0xc1: {  	[sflag:s0] =	ssyncadd.tile.s32 @!p0 $0x1;
	_ =	shalt  }
.Lfunc_end2:
_tile_overlayer_lowered:
.L_overlay_start_2:
0xc2: {  	(tag) =	ssettag $0x2  }
0xc3: {  	s0 =	rddreg [dreg:$0x0];
	s2 =	stileid.u32  }
0xc4: {  	s1 =	rddreg [dreg:$0x1];
	p0 =	sne.s32 s2, $0x0  }
0xc5: {  	s3 =	rddreg [dreg:$0x2];
	[bflag:$0x3] =	sbarrier.arrive $0xFFFF;
	s2 =	simm.s32 @!p0 $0x1C07  }
0xc6: {  	[timem:s3], [sflag:s2] =	dma.local @!p0 [hbm:s0], s1  }
0xc7: {  	s0 =	simm.s32 @!p0 $0x7  }
0xc8: {  	_ =	swait.ge @!p0 [sflag:s0], s1  }
0xc9: {  	s1 =	ssub.s32 @!p0 $0x0, s1;
	[sflag:s0] =	ssyncset.done @!p0 $0x0  }
0xca: {  	[sflag:s0] =	ssyncadd.s32 @!p0 s1  }
0xcb: {  	[bflag:$0x3] =	sbarrier.arrive $0xFFFF  }
0xcc: {  	_ =	shalt  }

// kernel: sparse-core-data-format-call.cloned.1.call-start
scs
called_computation_lowered:
.L_overlay_start_0:
0x0: {  	s2 =	sld [smem:$0x3FD9]  }
0x1: {  	s3 =	sld [smem:$0x3FFE];
	_ =	sdelay $0x1  }
0x2: {  	s1 =	srdreg.scid  }
0x3: {  	s0 =	sand.u32 $0x1, s1  }
0x4: {  	s18 =	sshll.u32 s0, $0xA;
	s2 =	sadd.s32 s3, s2  }
0x5: {  	s2 =	sadd.s32 s2, s18  }
0x6: {  	[smem:$0x3FC6] =	sst s2  }
0x7: {  	_ = 	snop  }
0x8: {  	s2 =	sld [smem:$0x3FD0];
	(tm) =	ssettm $0x1  }
0x9: {  	s19 =	sld [smem:$0x3FFB];
	_ =	sdelay $0x3  }
0xa: {  	_ =	strace s19  }
0xb: {  	s3 =	sld [smem:$0x3FFC];
	_ =	sdelay $0x3  }
0xc: {  	_ =	strace s3  }
0xd: {  	s3 =	sld [smem:$0x3FFD];
	_ =	sdelay $0x3  }
0xe: {  	_ =	strace s3  }
0xf: {  	_ =	strace $0x8FFFFFFF  }
0x10: {  	s20 =	sld [smem:$0x3FDB];
	_ =	sdelay $0x1  }
0x11: {  	s4 =	simm.s32 $_scs_section_size  }
0x12: {  	s5 =	simm.s32 $_size__tile_overlayer_lowered;
	s6 =	simm.s32 $_tile_overlayer_lowered  }
0x13: {  	s23 =	simm.s32 $0x1BFF;
	s22 =	sshll.u32 s6, $0x1;
	s3 =	sadd.s32 s4, s20  }
0x14: {  	s7 =	simm.s32 $0x0;
	s21 =	sshll.u32 s5, $0x1;
	s5 =	sadd.s32 s22, s3  }
0x15: {  	[timem:s7], [sflag:s23] =	dma.local [hbm:s5], s21  }
0x16: {  	_ =	swait.ge [sflag:s23], s21  }
0x17: {  	s4 =	ssub.s32 $0x0, s21;
	[sflag:s23] =	ssyncset.done $0x0  }
0x18: {  	[sflag:s23] =	ssyncadd.s32 s4;
	_ =	sdelay $0x1  }
0x19: {  	s24 =	simm.s32 $0x1B8B  }
0x1a: {  	_ =	swait.ge [sflag:s24], $0x1  }
0x1b: {  	[sflag:s24] =	ssyncset.done $0x0  }
0x1c: {  	s26 =	simm.s32 $0x1B8E;
	s25 =	sld [smem:$0x3FFE];
	[sflag:s24] =	ssyncadd.s32 $0xFFFFFFFF  }
0x1d: {  	s27 =	simm.s32 $execute0_lowered;
	[smem:$0x3FD2] =	sst s26  }
0x1e: {  	s5 =	sshll.u32 s27, $0x1;
	_ =	strace $0x80000049;
	[dreg:$0x1] =	wrdreg $0xFFFFFFFF  }
0x1f: {  	s28 =	simm.s32 $_size_execute0_lowered;
	s3 =	sadd.s32 s3, s5;
	[dreg:$0x0] =	wrdreg $0x0  }
0x20: {  	s5 =	sshll.u32 s28, $0x1;
	[dreg:$0x2] =	wrdreg s3  }
0x21: {  	[dreg:$0x3] =	wrdreg s5  }
0x22: {  	[dreg:$0x4] =	wrdreg $0xC0  }
0x23: {  	_ =	task [dreg:s7], $0x5FFFF  }
0x24: {  	[dreg:$0x1] =	wrdreg $0xFFFFFFFF  }
0x25: {  	[dreg:$0x0] =	wrdreg $0x60  }
0x26: {  	[dreg:$0x2] =	wrdreg s25  }
0x27: {  	[dreg:$0x3] =	wrdreg s2  }
0x28: {  	[dreg:$0x4] =	wrdreg $0x9  }
0x29: {  	_ =	task.clear_ibuf [dreg:s7], $0x5FFFF;
	_ =	strace $0x90000049  }
0x2a: {  	s29 =	simm.s32 $0x9;
	_ =	strace $0x8000004B  }
0x2b: {  	_ =	swait.ge [sflag:s29], $0x1  }
0x2c: {  	[sflag:s29] =	ssyncadd.s32 $0xFFFFFFFF  }
0x2d: {  	_ =	strace $0x9000004B  }
0x2e: {  	_ =	sfence  }
0x2f: {  	s30 =	sld [smem:$0x0];
	_ =	sdelay $0x2  }
0x30: {  	s31 =	sshll.u32 s1, $0xD;
	s1 =	sshrl.u32 s1, $0x2  }
0x31: {  	s3 =	sand.u32 $0x4000, s31;
	s1 =	sadd.s32 s1, s30  }
0x32: {  	s0 =	sor.u32 s3, s0;
	s1 =	sshll.u32 s1, $0x11  }
0x33: {  	s0 =	sor.u32 s1, s0  }
0x34: {  	s0 =	sadd.s32 $0x8F2B, s0  }
0x35: {  	[sflag:s0] =	ssyncadd.remote.s32 $0x1  }
0x36: {  	_ =	sfence.sel $0xFFFF  }
0x37: {  	[dreg:$0x0] =	wrdreg $0xFFFFFFFF;
	(pc) =	sbr.abs _section_cstart, $3  }
0x38: {  	[dreg:$0x1] =	wrdreg $0xFFFFFFFF  }
0x39: {  	_ =	task.clear_ibuf [dreg:s7], $0x2FFFF;
	_ =	strace $0x9FFFFFFF  }
0x3a: {  	(tm) =	ssettm $0x7FFFFFFF  }
0x3b: {  	_ =	shalt  }
tec
execute0_lowered:
.L_overlay_start_1:
0x0: {  	(tag) =	ssettag $0x1  }
0x1: {  	s0 =	srdreg.scid  }
0x2: {  	s1 =	sshll.u32 s0, $0x4  }
0x3: {  	s0 =	stileid.u32;
	s1 =	sand.u32 $0x10, s1  }
0x4: {  	s1 =	sor.u32 s0, s1  }
0x5: {  	s6 =	rddreg [dreg:$0x0];
	s4 =	simm.s32 $0x1;
	s2 =	sshll.u32 s1, $0x7  }
0x6: {  	s7 =	simm.s32 $0x2;
	s12 =	simm.s32 $0x0;
	s1 =	ssub.s32 $0x4000, s2  }
0x7: {  	s8 =	simm.s32 $0x20000;
	s13 =	simm.s32 $0x0;
	s3 =	sand.u32 $0xF80, s1  }
0x8: {  	s9 =	simm.s32 $0x0;
	s5 =	sshrl.u32 s1, $0xC;
	p0 =	sne.s32 s3, $0x0  }
.Ltmp0:
0x9: {  	s1 =	rddreg [dreg:$0x2];
	s4 =	simm.s32 @!p0 $0x0;
	(pc) =	sbr.rel .LBB1_1-.Ltmp0, $4  }
0xa: {  	s11 =	simm.s32 $0x0;
	s3 =	rddreg [dreg:$0x1];
	s5 =	sadd.s32 s4, s5  }
0xb: {  	_ =	strace $0x8000004A;
	s4 =	simm.s32 $0x1;
	s5 =	smul.u32 $0x32, s5  }
0xc: {  	s6 =	sadd.s32 $0xA00, s6;
	s10 =	smov.u32 s2;
	[sflag:s4] =	ssyncpa.u1 $0x0  }
0xd: {  	p0 =	por $0x0, $0x0;
	[sflag:s7] =	ssyncpa.u1 $0x0;
	s7 =	sor.u32 $0x1, s5  }
.LBB1_4:
0xe: {  	s16 =	sshll.u32 s13, $0x3;
	s17 =	sand.u32 $0x78, s13  }
0xf: {  	s30 =	sand.u32 $0x1F800, s13;
	s12 =	sshll.u32 s12, $0x11;
	s16 =	sand.u32 $0x3C00, s16  }
0x10: {  	[tilespmem:s15+$0x810 ss:$0x81] =	vst.msk $0xffff, v2;
	s31 =	sand.u32 $0x7, s13;
	s16 =	sor.u32 s17, s16;
	s17 =	sadd.s32 s3, s30  }
0x11: {  	[tilespmem:s15+$0x1020 ss:$0x81] =	vst.msk $0xffff, v0;
	s13 =	sshll.u32 s31, $0x12;
	s12 =	sadd.s32 s12, s17;
	s16 =	sshrl.u32 s16, $0x3  }
0x12: {  	[tilespmem:s15+$0x0 ss:$0x81] =	vst.msk $0xffff, v1;
	s13 =	sor.u32 $0x400, s13;
	s12 =	sadd.s32 s16, s12  }
0x13: {  	[hbm4b:s12+s13] =	stream.strided.scatter [tilespmem:s14], [sflag:$0x2], $0x2000, s8, s13, $0x20;
	[tilespmem:$0x8080] =	vst v63  }
.LBB1_5:
0x14: {  	s14 =	sadd.s32 $0x1, s9  }
0x15: {  	s12 =	sadd.s32 $0x1000, s10;
	s16 =	smov.u32 s10;
	p2 =	sgt.s32 s14, $0x31  }
0x16: {  	s16 =	smov.u32 @p2 s12  }
0x17: {  	s14 =	simm.s32 @p2 $0x0;
	p2 =	sgt.s32 s16, $0x3FFF  }
0x18: {  	s16 =	smov.u32 @p2 s2;
	p2 =	sne.s32 s11, s7  }
.Ltmp1:
0x19: {  	p1 =	slt.u32 s11, $0x2;
	(pc) =	sbr.rel @!p2 .LBB1_6-.Ltmp1, $4  }
0x1a: {  	s15 =	simm.s32 @!p1 $0x2  }
0x1b: {  	s13 =	smov.u32 s10;
	p0 =	por !p0, !p0;
	_ =	swait.ge @!p1 [sflag:s15], $0x2000  }
0x1c: {  	s12 =	smov.u32 s9;
	[sflag:s15] =	ssyncset.done @!p1 $0x0;
	s9 =	smov.u32 s14  }
0x1d: {  	s11 =	sadd.s32 $0x1, s11;
	[sflag:s15] =	ssyncadd.s32 @!p1 $0xFFFFE000;
	s10 =	smov.u32 s16  }
.LBB1_1:
0x1e: {  	p1 =	sge.u32 s11, s5  }
0x1f: {  	s14 =	sand.u32 @!p1 $0x1FFFFFF, s9  }
0x20: {  	s15 =	smulhi.u32 @!p1 $0x4924925, s14;
	_ =	sdelay $0x1  }
0x21: {  	s15 =	smul.u32 @!p1 $0x38, s15  }
0x22: {  	s16 =	sxor.u32 @!p1 $0xFFFFFFFF, s11;
	s17 =	smul.u32 @!p1 $0x380, s10  }
0x23: {  	s31 =	sadd.s32 $0xFFFFFFFF, s11;
	s16 =	sshll.u32 @!p1 s16, $0xD;
	s14 =	ssub.s32 @!p1 s14, s15  }
0x24: {  	s15 =	sand.u32 @!p1 $0x2000, s16;
	s16 =	sadd.s32 @!p1 s6, s17;
	s14 =	sshll.u32 @!p1 s14, $0x4  }
0x25: {  	s17 =	simm.s32 @!p1 $0x1C00;
	s14 =	sadd.s32 @!p1 s14, s16;
	s16 =	simm.s32 @!p1 $0x40  }
0x26: {  	[tilespmem:s15], [sflag:$0x1] =	stream.strided.gather @!p1 [hbm4b:s14+s16], $0x2000, s17, s16, $0x38;
	[tilespmem:$0x8080] =	vst v63  }
0x27: {  	p1 =	sge.u32 s31, s5  }
.Ltmp2:
0x28: {  	_ = 	snop;
	(pc) =	sbr.rel @p1 .LBB1_5-.Ltmp2, $1  }
0x29: {  	_ =	sdelay $0x3  }
0x2a: {  	s14 =	simm.s32 $0x1  }
0x2b: {  	_ =	swait.ge [sflag:s4], $0x2000;
	s14 =	simm.s32 @!p0 $0x0  }
0x2c: {  	[sflag:s4] =	ssyncset.done $0x0;
	s15 =	sshll.u32 s14, $0xD  }
0x2d: {  	[sflag:s4] =	ssyncadd.s32 $0xFFFFE000;
	s18 =	sor.u32 $0x20, s15  }
0x2e: {  	s14 =	smul.u32 $0x8100, s14;
	v3 =	vld [tilespmem:s18+$0x10]  }
0x2f: {  	s30 =	sand.u32 $0x1, s11;
	v2 =	vld [tilespmem:s18+$0xFFFFFFF0]  }
0x30: {  	s15 =	smul.u32 $0x8100, s30;
	s14 =	sshrl.u32 s14, $0x2;
	v0 =	vld [tilespmem:s18+$0x0]  }
0x31: {  	v1 =	vld [tilespmem:s18+$0xFFFFFFE0];
	s16 =	sor.u32 $0x4000, s14  }
0x32: {  	s31 =	sshrl.u32 s15, $0x2;
	s15 =	sadd.s32 $0x0, s16  }
0x33: {  	s17 =	simm.s32 $0x4;
	s18 =	sadd.s32 $0x40, s18;
	s14 =	sor.u32 $0x4000, s31;
	[tilespmem:s15+$0x1830 ss:$0x81] =	vst.msk $0xffff, v3  }
.LBB1_3:
0x34: {  	v3 =	vld [tilespmem:s18+$0x10];
	p1 =	sne.s32 s17, $0x1FC;
	[tilespmem:s15+$0x810 ss:$0x81] =	vst.msk $0xffff, v2;
	s19 =	smov.u32 s17;
	s17 =	sadd.s32 $0x4, s17  }
.Ltmp3:
0x35: {  	v2 =	vld [tilespmem:s18+$0xFFFFFFF0];
	[tilespmem:s15+$0x1020 ss:$0x81] =	vst.msk $0xffff, v0;
	(pc) =	sbr.rel @p1 .LBB1_3-.Ltmp3, $4  }
0x36: {  	v0 =	vld [tilespmem:s18+$0x0];
	[tilespmem:s15+$0x0 ss:$0x81] =	vst.msk $0xffff, v1  }
0x37: {  	s15 =	sshra.s32 s19, $0x2;
	v1 =	vld [tilespmem:s18+$0xFFFFFFE0]  }
0x38: {  	s15 =	sadd.s32 s15, s16  }
0x39: {  	s18 =	sadd.s32 $0x40, s18;
	[tilespmem:s15+$0x1830 ss:$0x81] =	vst.msk $0xffff, v3  }
.Ltmp4:
0x3a: {  	_ = 	snop;
	(pc) =	sbr.rel .LBB1_4-.Ltmp4, $1  }
0x3b: {  	_ =	sdelay $0x3  }
.LBB1_6:
0x3c: {  	_ =	sfence.sel $0x180000  }
0x3d: {  	s2 =	simm.s32 $0x1;
	[bflag:$0x0] =	sbarrier.arrive $0xFFFF  }
0x3e: {  	s31 =	simm.s32 $0x2;
	[sflag:s2] =	ssyncpa.u1 $0x1  }
0x3f: {  	[sflag:s31] =	ssyncpa.u1 $0x1  }
0x40: {  	p0 =	sne.s32 s0, $0x0;
	_ =	strace $0x9000004A  }
0x41: {  	s0 =	sadd.s32 @!p0 $0x100000, s1;
	[bflag:$0x2] =	sbarrier.arrive $0xFFFF  }
0x42: {  	[sflag:s0] =	ssyncadd.tile.s32 @!p0 $0x1;
	_ =	shalt  }
.Lfunc_end1:
_tile_overlayer_lowered:
.L_overlay_start_2:
0x43: {  	(tag) =	ssettag $0x2  }
0x44: {  	s0 =	rddreg [dreg:$0x0];
	s2 =	stileid.u32  }
0x45: {  	s1 =	rddreg [dreg:$0x1];
	p0 =	sne.s32 s2, $0x0  }
0x46: {  	s3 =	rddreg [dreg:$0x2];
	[bflag:$0x3] =	sbarrier.arrive $0xFFFF;
	s2 =	simm.s32 @!p0 $0x1C01  }
0x47: {  	[timem:s3], [sflag:s2] =	dma.local @!p0 [hbm:s0], s1  }
0x48: {  	s0 =	simm.s32 @!p0 $0x1  }
0x49: {  	_ =	swait.ge @!p0 [sflag:s0], s1  }
0x4a: {  	s1 =	ssub.s32 @!p0 $0x0, s1;
	[sflag:s0] =	ssyncset.done @!p0 $0x0  }
0x4b: {  	[sflag:s0] =	ssyncadd.s32 @!p0 s1  }
0x4c: {  	[bflag:$0x3] =	sbarrier.arrive $0xFFFF  }
0x4d: {  	_ =	shalt  }

</sc_bundles>
